<compile_context>
chip_gen: v7x
topology: tpu7x:2x2x1
jax: 0.10.2.dev20260603
libtpu: 0.0.44.dev20260713+nightly
codegen_flags: <defaults>
</compile_context>

<pallas_src>
import functools

import jax
import jax.numpy as jnp
from jax import lax
from jax.experimental import pallas as pl
from jax.experimental.pallas import tpu as pltpu
from jax.experimental.pallas import tpu_sc as plsc

NUM_EMBEDDINGS = 2048
EMBEDDING_DIM = 256
COMMITMENT_COST = 0.25

_N = 16
_T = 2048
_ROWS = _N * _T
_BLK = 512
_TB = _T // _BLK
_NBLK = _ROWS // _BLK

_NC = 2
_NS = 16
_NW = _NC * _NS
_RPW = _ROWS // _NW
_SUB = 128
_NCHUNK = _RPW // _SUB


def _dist_argmin_kernel(x_ref, w2_ref, idx_ref, oh_ref, loss_ref, perp_ref,
                        wsq_ref, cnt_ref, acc_ref):
    i = pl.program_id(0)
    xb = x_ref[0]
    w2 = w2_ref[...]

    @pl.when(i == 0)
    def _():
        wsq_ref[...] = (jnp.sum(w2 * w2, axis=1) * 0.25)[None, :]
        cnt_ref[...] = jnp.zeros((8, NUM_EMBEDDINGS), jnp.float32)
        acc_ref[0] = 0.0

    mm2 = jax.lax.dot_general(
        xb, w2, (((0,), (1,)), ((), ())),
        preferred_element_type=jnp.float32)
    xsq = jnp.sum(xb * xb, axis=0)[:, None]
    d = (xsq + wsq_ref[...]) - mm2
    minval = jnp.min(d, axis=1, keepdims=True)
    eqm = d == minval
    oh_ref[...] = jnp.where(eqm, 1.0, 0.0)
    oh = oh_ref[...]

    ids = jax.lax.broadcasted_iota(jnp.int32, d.shape, 1)
    idx_ref[...] = jnp.min(jnp.where(eqm, ids, NUM_EMBEDDINGS), axis=1,
                           keepdims=True)

    cnt_ref[...] += jax.lax.dot_general(
        jnp.ones((8, _BLK), jnp.float32), oh, (((1,), (0,)), ((), ())),
        preferred_element_type=jnp.float32)
    acc_ref[0] += jnp.sum(minval)

    @pl.when(i == _NBLK - 1)
    def _():
        loss_ref[...] = jnp.full(
            (1, 1), (1.0 + COMMITMENT_COST) / (_ROWS * EMBEDDING_DIM)) \
            * acc_ref[0]
        p = cnt_ref[0:1, :] * (1.0 / _ROWS)
        perp_ref[...] = jnp.exp(
            -jnp.sum(p * jnp.log(p + 1e-10), keepdims=True))


def _dist_argmin(inputs, W2):
    return pl.pallas_call(
        _dist_argmin_kernel,
        grid=(_NBLK,),
        in_specs=[
            pl.BlockSpec((1, EMBEDDING_DIM, _BLK),
                         lambda i: (i // _TB, 0, i % _TB)),
            pl.BlockSpec((NUM_EMBEDDINGS, EMBEDDING_DIM), lambda i: (0, 0)),
        ],
        out_specs=[
            pl.BlockSpec((_BLK, 1), lambda i: (i, 0)),
            pl.BlockSpec((_BLK, NUM_EMBEDDINGS), lambda i: (i, 0)),
            pl.BlockSpec((1, 1), lambda i: (0, 0)),
            pl.BlockSpec((1, 1), lambda i: (0, 0)),
        ],
        out_shape=[
            jax.ShapeDtypeStruct((_ROWS, 1), jnp.int32),
            jax.ShapeDtypeStruct((_ROWS, NUM_EMBEDDINGS), jnp.float32),
            jax.ShapeDtypeStruct((1, 1), jnp.float32),
            jax.ShapeDtypeStruct((1, 1), jnp.float32),
        ],
        scratch_shapes=[
            pltpu.VMEM((1, NUM_EMBEDDINGS), jnp.float32),
            pltpu.VMEM((8, NUM_EMBEDDINGS), jnp.float32),
            pltpu.SMEM((1,), jnp.float32),
        ],
    )(inputs, W2)


_NBUF = 3


def _sc_gather_body(idx_hbm, w_hbm, quant_hbm, *refs):
    idx_c = refs[:_NCHUNK]
    rows = refs[_NCHUNK:_NCHUNK + _NBUF]
    gsems = refs[_NCHUNK + _NBUF:_NCHUNK + 2 * _NBUF]
    wsems = refs[_NCHUNK + 2 * _NBUF:_NCHUNK + 3 * _NBUF]
    wid = lax.axis_index("s") * _NC + lax.axis_index("c")
    base = wid * _RPW
    for c in range(_NCHUNK):
        pltpu.sync_copy(idx_hbm.at[wid, c], idx_c[c])

    gcp = [None] * _NCHUNK
    wcp = [None] * _NCHUNK
    for c in range(min(_NBUF, _NCHUNK)):
        gcp[c] = pltpu.async_copy(w_hbm.at[idx_c[c]], rows[c % _NBUF],
                                  gsems[c % _NBUF])
    for c in range(_NCHUNK):
        b = c % _NBUF
        if c > 0 and c - 1 + _NBUF < _NCHUNK:
            wcp[c - 1].wait()
            gcp[c - 1 + _NBUF] = pltpu.async_copy(
                w_hbm.at[idx_c[c - 1 + _NBUF]], rows[(c - 1) % _NBUF],
                gsems[(c - 1) % _NBUF])
        gcp[c].wait()
        wcp[c] = pltpu.async_copy(
            rows[b], quant_hbm.at[pl.ds(base + c * _SUB, _SUB)], wsems[b])
    for c in range(_NCHUNK):
        if c + _NBUF >= _NCHUNK:
            wcp[c].wait()


def _sc_gather(encoding_indices, W):
    mesh = plsc.VectorSubcoreMesh(core_axis_name="c", subcore_axis_name="s")
    fn = functools.partial(
        pl.kernel,
        mesh=mesh,
        out_type=jax.ShapeDtypeStruct((_ROWS, EMBEDDING_DIM), jnp.float32),
        scratch_types=(
            [pltpu.VMEM((_SUB,), jnp.int32)] * _NCHUNK
            + [pltpu.VMEM((_SUB, EMBEDDING_DIM), jnp.float32)] * _NBUF
            + [pltpu.SemaphoreType.DMA] * (2 * _NBUF)
        ),
    )(_sc_gather_body)
    return fn(encoding_indices, W)


def _transpose_kernel(q_ref, out_ref):
    out_ref[0] = q_ref[...].T


def _transpose(quantized):
    return pl.pallas_call(
        _transpose_kernel,
        grid=(_N, _TB),
        in_specs=[
            pl.BlockSpec((_BLK, EMBEDDING_DIM),
                         lambda n, tb: (n * _TB + tb, 0)),
        ],
        out_specs=pl.BlockSpec((1, EMBEDDING_DIM, _BLK),
                               lambda n, tb: (n, 0, tb)),
        out_shape=jax.ShapeDtypeStruct((_N, EMBEDDING_DIM, _T), jnp.float32),
    )(quantized)


def kernel(inputs, W):
    W2 = W + W
    idx2, encodings, loss, perp = _dist_argmin(inputs, W2)
    idx_tiles = idx2.reshape(_NW, _NCHUNK, _SUB)

    quantized = _sc_gather(idx_tiles, W)
    quantized_out = _transpose(quantized)

    loss = loss.reshape(())
    perplexity = perp.reshape(())
    reset_ratio = jnp.zeros((1,), dtype=jnp.float32)

    return (loss, quantized_out, perplexity, reset_ratio, encodings)

# --- scband reference (transcript-rebuilt; emitter-appended) ---
"""Pipeline reference for scband-vector-quantizer-ema-62577673503199 (READ-ONLY COPY).

The authoritative reference and input builder live on the scoring server;
editing this copy changes nothing except your own understanding.
"""

import jax, jax.numpy as jnp
import numpy as np

NUM_EMBEDDINGS = 2048
EMBEDDING_DIM = 256
COMMITMENT_COST = 0.25


def setup_inputs(seed: int = 0) -> dict:
    key = jax.random.key(seed)
    k1, k2 = jax.random.split(key)
    inputs = jax.random.normal(k1, (16, 256, 2048), dtype=jnp.float32)
    # learned codebook (nn.Embedding weight, initialized normal_())
    W = jax.random.normal(k2, (NUM_EMBEDDINGS, EMBEDDING_DIM), dtype=jnp.float32)
    return {"inputs": inputs, "W": W}


def reference(inputs, W):
    # eval-mode forward (self.training == False)
    N, width, T = inputs.shape
    inputs_p = jnp.transpose(inputs, (0, 2, 1))  # [N, T, D]
    flat_input = inputs_p.reshape(-1, width)     # [N*T, D]

    # quantize: squared L2 distances to codebook
    distances = (jnp.sum(flat_input ** 2, axis=-1, keepdims=True)
                 + jnp.sum(W ** 2, axis=1)
                 - 2.0 * jnp.matmul(flat_input, W.T))
    encoding_indices = jnp.argmin(distances, axis=1)  # [N*T]

    # one-hot encodings (scatter_ of ones)
    encodings = jax.nn.one_hot(encoding_indices, NUM_EMBEDDINGS, dtype=jnp.float32)

    quantized = jnp.matmul(encodings, W).reshape(N, T, width)  # [N, T, D]

    reset_ratio = jnp.zeros((1,), dtype=jnp.float32)

    e_latent_loss = jnp.mean((jax.lax.stop_gradient(quantized) - inputs_p) ** 2)
    q_latent_loss = jnp.mean((quantized - jax.lax.stop_gradient(inputs_p)) ** 2)
    loss = q_latent_loss + COMMITMENT_COST * e_latent_loss

    # straight-through estimator
    quantized_st = inputs_p + jax.lax.stop_gradient(quantized - inputs_p)
    quantized_out = jnp.transpose(quantized_st, (0, 2, 1))  # [N, D, T]

    avg_probs = jnp.mean(encodings, axis=0)
    perplexity = jnp.exp(-jnp.sum(avg_probs * jnp.log(avg_probs + 1e-10)))

    return (loss, quantized_out, perplexity, reset_ratio, encodings)

if __name__ == "__main__":
    import jax
    _d = setup_inputs()
    print(jax.jit(kernel)(*tuple(_d.values())))

</pallas_src>

<mosaic_0001>
#map = affine_map<(d0, d1) -> (0, 0, 0)>
#map1 = affine_map<(d0, d1) -> (0, 0)>
module attributes {stable_mosaic.version = 14 : i64} {
  func.func @_sc_gather_body(%arg0: i32, %arg1: i32, %arg2: memref<32x8x128xi32, #tpu.memory_space<hbm>>, %arg3: memref<2048x256xf32, #tpu.memory_space<hbm>>, %arg4: memref<32768x256xf32, #tpu.memory_space<hbm>>, %arg5: memref<128xi32, #tpu.memory_space<vmem>>, %arg6: memref<128xi32, #tpu.memory_space<vmem>>, %arg7: memref<128xi32, #tpu.memory_space<vmem>>, %arg8: memref<128xi32, #tpu.memory_space<vmem>>, %arg9: memref<128xi32, #tpu.memory_space<vmem>>, %arg10: memref<128xi32, #tpu.memory_space<vmem>>, %arg11: memref<128xi32, #tpu.memory_space<vmem>>, %arg12: memref<128xi32, #tpu.memory_space<vmem>>, %arg13: memref<128x256xf32, #tpu.memory_space<vmem>>, %arg14: memref<128x256xf32, #tpu.memory_space<vmem>>, %arg15: memref<128x256xf32, #tpu.memory_space<vmem>>, %arg16: memref<!tpu.dma_semaphore, #tpu.memory_space<semaphore_mem>>, %arg17: memref<!tpu.dma_semaphore, #tpu.memory_space<semaphore_mem>>, %arg18: memref<!tpu.dma_semaphore, #tpu.memory_space<semaphore_mem>>, %arg19: memref<!tpu.dma_semaphore, #tpu.memory_space<semaphore_mem>>, %arg20: memref<!tpu.dma_semaphore, #tpu.memory_space<semaphore_mem>>, %arg21: memref<!tpu.dma_semaphore, #tpu.memory_space<semaphore_mem>>) attributes {dimension_semantics = [#tpu.dimension_semantics<core_parallel>, #tpu.dimension_semantics<subcore_parallel>], iteration_bounds = array<i64: 2, 16>, scalar_prefetch = 0 : i64, scratch_operands = 17 : i64, tpu.core_type = #tpu.core_type<sc_vector_subcore>, window_params = [{transform_indices = #map}, {transform_indices = #map1}, {transform_indices = #map1}]} {
    %mul3A = arith.constant 2 : i32
    %mul3A_0 = arith.muli %arg1, %mul3A : i32
    %add3A = arith.addi %mul3A_0, %arg0 : i32
    %mul3A_1 = arith.constant 1024 : i32
    %mul3A_2 = arith.muli %add3A, %mul3A_1 : i32
    %run_scoped3A = arith.constant 0 : i32
    "tpu.region"() ({
      %run_scoped3A_136 = tpu.sem_alloc : memref<!tpu.dma_semaphore, #tpu.memory_space<semaphore_mem>>
      %dma_start3A_137 = arith.constant 0 : i32
      %dma_start3A_138 = tpu.memref_slice %arg2[%add3A, %run_scoped3A, %dma_start3A_137] : memref<32x8x128xi32, #tpu.memory_space<hbm>> -> memref<1x1x128xi32, #tpu.memory_space<hbm>>
      %dma_start3A_139 = tpu.memref_squeeze %dma_start3A_138 : memref<1x1x128xi32, #tpu.memory_space<hbm>> -> memref<128xi32, #tpu.memory_space<hbm>>
      %dma_start3A_140 = arith.constant 0 : i32
      %dma_start3A_141 = tpu.memref_slice %arg2[%add3A, %run_scoped3A, %dma_start3A_140] : memref<32x8x128xi32, #tpu.memory_space<hbm>> -> memref<1x1x128xi32, #tpu.memory_space<hbm>>
      %dma_start3A_142 = tpu.memref_squeeze %dma_start3A_141 : memref<1x1x128xi32, #tpu.memory_space<hbm>> -> memref<128xi32, #tpu.memory_space<hbm>>
      tpu.enqueue_dma source(%dma_start3A_142 : memref<128xi32, #tpu.memory_space<hbm>>) target(%arg5 : memref<128xi32, #tpu.memory_space<vmem>>) target_semaphore(%run_scoped3A_136 : memref<!tpu.dma_semaphore, #tpu.memory_space<semaphore_mem>>)
      %dma_wait3A_143 = arith.constant 0 : i32
      %dma_wait3A_144 = tpu.memref_slice %arg2[%add3A, %run_scoped3A, %dma_wait3A_143] : memref<32x8x128xi32, #tpu.memory_space<hbm>> -> memref<1x1x128xi32, #tpu.memory_space<hbm>>
      %dma_wait3A_145 = tpu.memref_squeeze %dma_wait3A_144 : memref<1x1x128xi32, #tpu.memory_space<hbm>> -> memref<128xi32, #tpu.memory_space<hbm>>
      %dma_wait3A_146 = arith.constant 0 : i32
      %dma_wait3A_147 = tpu.memref_slice %arg2[%add3A, %run_scoped3A, %dma_wait3A_146] : memref<32x8x128xi32, #tpu.memory_space<hbm>> -> memref<1x1x128xi32, #tpu.memory_space<hbm>>
      %dma_wait3A_148 = tpu.memref_squeeze %dma_wait3A_147 : memref<1x1x128xi32, #tpu.memory_space<hbm>> -> memref<128xi32, #tpu.memory_space<hbm>>
      tpu.wait_dma2 semaphore(%run_scoped3A_136 : memref<!tpu.dma_semaphore, #tpu.memory_space<semaphore_mem>>) src(%dma_wait3A_148 : memref<128xi32, #tpu.memory_space<hbm>>) dst(%arg5 : memref<128xi32, #tpu.memory_space<vmem>>)
      tpu.yield
    }) : () -> ()
    %run_scoped3A_3 = arith.constant 1 : i32
    "tpu.region"() ({
      %run_scoped3A_136 = tpu.sem_alloc : memref<!tpu.dma_semaphore, #tpu.memory_space<semaphore_mem>>
      %dma_start3A_137 = arith.constant 0 : i32
      %dma_start3A_138 = tpu.memref_slice %arg2[%add3A, %run_scoped3A_3, %dma_start3A_137] : memref<32x8x128xi32, #tpu.memory_space<hbm>> -> memref<1x1x128xi32, #tpu.memory_space<hbm>>
      %dma_start3A_139 = tpu.memref_squeeze %dma_start3A_138 : memref<1x1x128xi32, #tpu.memory_space<hbm>> -> memref<128xi32, #tpu.memory_space<hbm>>
      %dma_start3A_140 = arith.constant 0 : i32
      %dma_start3A_141 = tpu.memref_slice %arg2[%add3A, %run_scoped3A_3, %dma_start3A_140] : memref<32x8x128xi32, #tpu.memory_space<hbm>> -> memref<1x1x128xi32, #tpu.memory_space<hbm>>
      %dma_start3A_142 = tpu.memref_squeeze %dma_start3A_141 : memref<1x1x128xi32, #tpu.memory_space<hbm>> -> memref<128xi32, #tpu.memory_space<hbm>>
      tpu.enqueue_dma source(%dma_start3A_142 : memref<128xi32, #tpu.memory_space<hbm>>) target(%arg6 : memref<128xi32, #tpu.memory_space<vmem>>) target_semaphore(%run_scoped3A_136 : memref<!tpu.dma_semaphore, #tpu.memory_space<semaphore_mem>>)
      %dma_wait3A_143 = arith.constant 0 : i32
      %dma_wait3A_144 = tpu.memref_slice %arg2[%add3A, %run_scoped3A_3, %dma_wait3A_143] : memref<32x8x128xi32, #tpu.memory_space<hbm>> -> memref<1x1x128xi32, #tpu.memory_space<hbm>>
      %dma_wait3A_145 = tpu.memref_squeeze %dma_wait3A_144 : memref<1x1x128xi32, #tpu.memory_space<hbm>> -> memref<128xi32, #tpu.memory_space<hbm>>
      %dma_wait3A_146 = arith.constant 0 : i32
      %dma_wait3A_147 = tpu.memref_slice %arg2[%add3A, %run_scoped3A_3, %dma_wait3A_146] : memref<32x8x128xi32, #tpu.memory_space<hbm>> -> memref<1x1x128xi32, #tpu.memory_space<hbm>>
      %dma_wait3A_148 = tpu.memref_squeeze %dma_wait3A_147 : memref<1x1x128xi32, #tpu.memory_space<hbm>> -> memref<128xi32, #tpu.memory_space<hbm>>
      tpu.wait_dma2 semaphore(%run_scoped3A_136 : memref<!tpu.dma_semaphore, #tpu.memory_space<semaphore_mem>>) src(%dma_wait3A_148 : memref<128xi32, #tpu.memory_space<hbm>>) dst(%arg6 : memref<128xi32, #tpu.memory_space<vmem>>)
      tpu.yield
    }) : () -> ()
    %run_scoped3A_4 = arith.constant 2 : i32
    "tpu.region"() ({
      %run_scoped3A_136 = tpu.sem_alloc : memref<!tpu.dma_semaphore, #tpu.memory_space<semaphore_mem>>
      %dma_start3A_137 = arith.constant 0 : i32
      %dma_start3A_138 = tpu.memref_slice %arg2[%add3A, %run_scoped3A_4, %dma_start3A_137] : memref<32x8x128xi32, #tpu.memory_space<hbm>> -> memref<1x1x128xi32, #tpu.memory_space<hbm>>
      %dma_start3A_139 = tpu.memref_squeeze %dma_start3A_138 : memref<1x1x128xi32, #tpu.memory_space<hbm>> -> memref<128xi32, #tpu.memory_space<hbm>>
      %dma_start3A_140 = arith.constant 0 : i32
      %dma_start3A_141 = tpu.memref_slice %arg2[%add3A, %run_scoped3A_4, %dma_start3A_140] : memref<32x8x128xi32, #tpu.memory_space<hbm>> -> memref<1x1x128xi32, #tpu.memory_space<hbm>>
      %dma_start3A_142 = tpu.memref_squeeze %dma_start3A_141 : memref<1x1x128xi32, #tpu.memory_space<hbm>> -> memref<128xi32, #tpu.memory_space<hbm>>
      tpu.enqueue_dma source(%dma_start3A_142 : memref<128xi32, #tpu.memory_space<hbm>>) target(%arg7 : memref<128xi32, #tpu.memory_space<vmem>>) target_semaphore(%run_scoped3A_136 : memref<!tpu.dma_semaphore, #tpu.memory_space<semaphore_mem>>)
      %dma_wait3A_143 = arith.constant 0 : i32
      %dma_wait3A_144 = tpu.memref_slice %arg2[%add3A, %run_scoped3A_4, %dma_wait3A_143] : memref<32x8x128xi32, #tpu.memory_space<hbm>> -> memref<1x1x128xi32, #tpu.memory_space<hbm>>
      %dma_wait3A_145 = tpu.memref_squeeze %dma_wait3A_144 : memref<1x1x128xi32, #tpu.memory_space<hbm>> -> memref<128xi32, #tpu.memory_space<hbm>>
      %dma_wait3A_146 = arith.constant 0 : i32
      %dma_wait3A_147 = tpu.memref_slice %arg2[%add3A, %run_scoped3A_4, %dma_wait3A_146] : memref<32x8x128xi32, #tpu.memory_space<hbm>> -> memref<1x1x128xi32, #tpu.memory_space<hbm>>
      %dma_wait3A_148 = tpu.memref_squeeze %dma_wait3A_147 : memref<1x1x128xi32, #tpu.memory_space<hbm>> -> memref<128xi32, #tpu.memory_space<hbm>>
      tpu.wait_dma2 semaphore(%run_scoped3A_136 : memref<!tpu.dma_semaphore, #tpu.memory_space<semaphore_mem>>) src(%dma_wait3A_148 : memref<128xi32, #tpu.memory_space<hbm>>) dst(%arg7 : memref<128xi32, #tpu.memory_space<vmem>>)
      tpu.yield
    }) : () -> ()
    %run_scoped3A_5 = arith.constant 3 : i32
    "tpu.region"() ({
      %run_scoped3A_136 = tpu.sem_alloc : memref<!tpu.dma_semaphore, #tpu.memory_space<semaphore_mem>>
      %dma_start3A_137 = arith.constant 0 : i32
      %dma_start3A_138 = tpu.memref_slice %arg2[%add3A, %run_scoped3A_5, %dma_start3A_137] : memref<32x8x128xi32, #tpu.memory_space<hbm>> -> memref<1x1x128xi32, #tpu.memory_space<hbm>>
      %dma_start3A_139 = tpu.memref_squeeze %dma_start3A_138 : memref<1x1x128xi32, #tpu.memory_space<hbm>> -> memref<128xi32, #tpu.memory_space<hbm>>
      %dma_start3A_140 = arith.constant 0 : i32
      %dma_start3A_141 = tpu.memref_slice %arg2[%add3A, %run_scoped3A_5, %dma_start3A_140] : memref<32x8x128xi32, #tpu.memory_space<hbm>> -> memref<1x1x128xi32, #tpu.memory_space<hbm>>
      %dma_start3A_142 = tpu.memref_squeeze %dma_start3A_141 : memref<1x1x128xi32, #tpu.memory_space<hbm>> -> memref<128xi32, #tpu.memory_space<hbm>>
      tpu.enqueue_dma source(%dma_start3A_142 : memref<128xi32, #tpu.memory_space<hbm>>) target(%arg8 : memref<128xi32, #tpu.memory_space<vmem>>) target_semaphore(%run_scoped3A_136 : memref<!tpu.dma_semaphore, #tpu.memory_space<semaphore_mem>>)
      %dma_wait3A_143 = arith.constant 0 : i32
      %dma_wait3A_144 = tpu.memref_slice %arg2[%add3A, %run_scoped3A_5, %dma_wait3A_143] : memref<32x8x128xi32, #tpu.memory_space<hbm>> -> memref<1x1x128xi32, #tpu.memory_space<hbm>>
      %dma_wait3A_145 = tpu.memref_squeeze %dma_wait3A_144 : memref<1x1x128xi32, #tpu.memory_space<hbm>> -> memref<128xi32, #tpu.memory_space<hbm>>
      %dma_wait3A_146 = arith.constant 0 : i32
      %dma_wait3A_147 = tpu.memref_slice %arg2[%add3A, %run_scoped3A_5, %dma_wait3A_146] : memref<32x8x128xi32, #tpu.memory_space<hbm>> -> memref<1x1x128xi32, #tpu.memory_space<hbm>>
      %dma_wait3A_148 = tpu.memref_squeeze %dma_wait3A_147 : memref<1x1x128xi32, #tpu.memory_space<hbm>> -> memref<128xi32, #tpu.memory_space<hbm>>
      tpu.wait_dma2 semaphore(%run_scoped3A_136 : memref<!tpu.dma_semaphore, #tpu.memory_space<semaphore_mem>>) src(%dma_wait3A_148 : memref<128xi32, #tpu.memory_space<hbm>>) dst(%arg8 : memref<128xi32, #tpu.memory_space<vmem>>)
      tpu.yield
    }) : () -> ()
    %run_scoped3A_6 = arith.constant 4 : i32
    "tpu.region"() ({
      %run_scoped3A_136 = tpu.sem_alloc : memref<!tpu.dma_semaphore, #tpu.memory_space<semaphore_mem>>
      %dma_start3A_137 = arith.constant 0 : i32
      %dma_start3A_138 = tpu.memref_slice %arg2[%add3A, %run_scoped3A_6, %dma_start3A_137] : memref<32x8x128xi32, #tpu.memory_space<hbm>> -> memref<1x1x128xi32, #tpu.memory_space<hbm>>
      %dma_start3A_139 = tpu.memref_squeeze %dma_start3A_138 : memref<1x1x128xi32, #tpu.memory_space<hbm>> -> memref<128xi32, #tpu.memory_space<hbm>>
      %dma_start3A_140 = arith.constant 0 : i32
      %dma_start3A_141 = tpu.memref_slice %arg2[%add3A, %run_scoped3A_6, %dma_start3A_140] : memref<32x8x128xi32, #tpu.memory_space<hbm>> -> memref<1x1x128xi32, #tpu.memory_space<hbm>>
      %dma_start3A_142 = tpu.memref_squeeze %dma_start3A_141 : memref<1x1x128xi32, #tpu.memory_space<hbm>> -> memref<128xi32, #tpu.memory_space<hbm>>
      tpu.enqueue_dma source(%dma_start3A_142 : memref<128xi32, #tpu.memory_space<hbm>>) target(%arg9 : memref<128xi32, #tpu.memory_space<vmem>>) target_semaphore(%run_scoped3A_136 : memref<!tpu.dma_semaphore, #tpu.memory_space<semaphore_mem>>)
      %dma_wait3A_143 = arith.constant 0 : i32
      %dma_wait3A_144 = tpu.memref_slice %arg2[%add3A, %run_scoped3A_6, %dma_wait3A_143] : memref<32x8x128xi32, #tpu.memory_space<hbm>> -> memref<1x1x128xi32, #tpu.memory_space<hbm>>
      %dma_wait3A_145 = tpu.memref_squeeze %dma_wait3A_144 : memref<1x1x128xi32, #tpu.memory_space<hbm>> -> memref<128xi32, #tpu.memory_space<hbm>>
      %dma_wait3A_146 = arith.constant 0 : i32
      %dma_wait3A_147 = tpu.memref_slice %arg2[%add3A, %run_scoped3A_6, %dma_wait3A_146] : memref<32x8x128xi32, #tpu.memory_space<hbm>> -> memref<1x1x128xi32, #tpu.memory_space<hbm>>
      %dma_wait3A_148 = tpu.memref_squeeze %dma_wait3A_147 : memref<1x1x128xi32, #tpu.memory_space<hbm>> -> memref<128xi32, #tpu.memory_space<hbm>>
      tpu.wait_dma2 semaphore(%run_scoped3A_136 : memref<!tpu.dma_semaphore, #tpu.memory_space<semaphore_mem>>) src(%dma_wait3A_148 : memref<128xi32, #tpu.memory_space<hbm>>) dst(%arg9 : memref<128xi32, #tpu.memory_space<vmem>>)
      tpu.yield
    }) : () -> ()
    %run_scoped3A_7 = arith.constant 5 : i32
    "tpu.region"() ({
      %run_scoped3A_136 = tpu.sem_alloc : memref<!tpu.dma_semaphore, #tpu.memory_space<semaphore_mem>>
      %dma_start3A_137 = arith.constant 0 : i32
      %dma_start3A_138 = tpu.memref_slice %arg2[%add3A, %run_scoped3A_7, %dma_start3A_137] : memref<32x8x128xi32, #tpu.memory_space<hbm>> -> memref<1x1x128xi32, #tpu.memory_space<hbm>>
      %dma_start3A_139 = tpu.memref_squeeze %dma_start3A_138 : memref<1x1x128xi32, #tpu.memory_space<hbm>> -> memref<128xi32, #tpu.memory_space<hbm>>
      %dma_start3A_140 = arith.constant 0 : i32
      %dma_start3A_141 = tpu.memref_slice %arg2[%add3A, %run_scoped3A_7, %dma_start3A_140] : memref<32x8x128xi32, #tpu.memory_space<hbm>> -> memref<1x1x128xi32, #tpu.memory_space<hbm>>
      %dma_start3A_142 = tpu.memref_squeeze %dma_start3A_141 : memref<1x1x128xi32, #tpu.memory_space<hbm>> -> memref<128xi32, #tpu.memory_space<hbm>>
      tpu.enqueue_dma source(%dma_start3A_142 : memref<128xi32, #tpu.memory_space<hbm>>) target(%arg10 : memref<128xi32, #tpu.memory_space<vmem>>) target_semaphore(%run_scoped3A_136 : memref<!tpu.dma_semaphore, #tpu.memory_space<semaphore_mem>>)
      %dma_wait3A_143 = arith.constant 0 : i32
      %dma_wait3A_144 = tpu.memref_slice %arg2[%add3A, %run_scoped3A_7, %dma_wait3A_143] : memref<32x8x128xi32, #tpu.memory_space<hbm>> -> memref<1x1x128xi32, #tpu.memory_space<hbm>>
      %dma_wait3A_145 = tpu.memref_squeeze %dma_wait3A_144 : memref<1x1x128xi32, #tpu.memory_space<hbm>> -> memref<128xi32, #tpu.memory_space<hbm>>
      %dma_wait3A_146 = arith.constant 0 : i32
      %dma_wait3A_147 = tpu.memref_slice %arg2[%add3A, %run_scoped3A_7, %dma_wait3A_146] : memref<32x8x128xi32, #tpu.memory_space<hbm>> -> memref<1x1x128xi32, #tpu.memory_space<hbm>>
      %dma_wait3A_148 = tpu.memref_squeeze %dma_wait3A_147 : memref<1x1x128xi32, #tpu.memory_space<hbm>> -> memref<128xi32, #tpu.memory_space<hbm>>
      tpu.wait_dma2 semaphore(%run_scoped3A_136 : memref<!tpu.dma_semaphore, #tpu.memory_space<semaphore_mem>>) src(%dma_wait3A_148 : memref<128xi32, #tpu.memory_space<hbm>>) dst(%arg10 : memref<128xi32, #tpu.memory_space<vmem>>)
      tpu.yield
    }) : () -> ()
    %run_scoped3A_8 = arith.constant 6 : i32
    "tpu.region"() ({
      %run_scoped3A_136 = tpu.sem_alloc : memref<!tpu.dma_semaphore, #tpu.memory_space<semaphore_mem>>
      %dma_start3A_137 = arith.constant 0 : i32
      %dma_start3A_138 = tpu.memref_slice %arg2[%add3A, %run_scoped3A_8, %dma_start3A_137] : memref<32x8x128xi32, #tpu.memory_space<hbm>> -> memref<1x1x128xi32, #tpu.memory_space<hbm>>
      %dma_start3A_139 = tpu.memref_squeeze %dma_start3A_138 : memref<1x1x128xi32, #tpu.memory_space<hbm>> -> memref<128xi32, #tpu.memory_space<hbm>>
      %dma_start3A_140 = arith.constant 0 : i32
      %dma_start3A_141 = tpu.memref_slice %arg2[%add3A, %run_scoped3A_8, %dma_start3A_140] : memref<32x8x128xi32, #tpu.memory_space<hbm>> -> memref<1x1x128xi32, #tpu.memory_space<hbm>>
      %dma_start3A_142 = tpu.memref_squeeze %dma_start3A_141 : memref<1x1x128xi32, #tpu.memory_space<hbm>> -> memref<128xi32, #tpu.memory_space<hbm>>
      tpu.enqueue_dma source(%dma_start3A_142 : memref<128xi32, #tpu.memory_space<hbm>>) target(%arg11 : memref<128xi32, #tpu.memory_space<vmem>>) target_semaphore(%run_scoped3A_136 : memref<!tpu.dma_semaphore, #tpu.memory_space<semaphore_mem>>)
      %dma_wait3A_143 = arith.constant 0 : i32
      %dma_wait3A_144 = tpu.memref_slice %arg2[%add3A, %run_scoped3A_8, %dma_wait3A_143] : memref<32x8x128xi32, #tpu.memory_space<hbm>> -> memref<1x1x128xi32, #tpu.memory_space<hbm>>
      %dma_wait3A_145 = tpu.memref_squeeze %dma_wait3A_144 : memref<1x1x128xi32, #tpu.memory_space<hbm>> -> memref<128xi32, #tpu.memory_space<hbm>>
      %dma_wait3A_146 = arith.constant 0 : i32
      %dma_wait3A_147 = tpu.memref_slice %arg2[%add3A, %run_scoped3A_8, %dma_wait3A_146] : memref<32x8x128xi32, #tpu.memory_space<hbm>> -> memref<1x1x128xi32, #tpu.memory_space<hbm>>
      %dma_wait3A_148 = tpu.memref_squeeze %dma_wait3A_147 : memref<1x1x128xi32, #tpu.memory_space<hbm>> -> memref<128xi32, #tpu.memory_space<hbm>>
      tpu.wait_dma2 semaphore(%run_scoped3A_136 : memref<!tpu.dma_semaphore, #tpu.memory_space<semaphore_mem>>) src(%dma_wait3A_148 : memref<128xi32, #tpu.memory_space<hbm>>) dst(%arg11 : memref<128xi32, #tpu.memory_space<vmem>>)
      tpu.yield
    }) : () -> ()
    %run_scoped3A_9 = arith.constant 7 : i32
    "tpu.region"() ({
      %run_scoped3A_136 = tpu.sem_alloc : memref<!tpu.dma_semaphore, #tpu.memory_space<semaphore_mem>>
      %dma_start3A_137 = arith.constant 0 : i32
      %dma_start3A_138 = tpu.memref_slice %arg2[%add3A, %run_scoped3A_9, %dma_start3A_137] : memref<32x8x128xi32, #tpu.memory_space<hbm>> -> memref<1x1x128xi32, #tpu.memory_space<hbm>>
      %dma_start3A_139 = tpu.memref_squeeze %dma_start3A_138 : memref<1x1x128xi32, #tpu.memory_space<hbm>> -> memref<128xi32, #tpu.memory_space<hbm>>
      %dma_start3A_140 = arith.constant 0 : i32
      %dma_start3A_141 = tpu.memref_slice %arg2[%add3A, %run_scoped3A_9, %dma_start3A_140] : memref<32x8x128xi32, #tpu.memory_space<hbm>> -> memref<1x1x128xi32, #tpu.memory_space<hbm>>
      %dma_start3A_142 = tpu.memref_squeeze %dma_start3A_141 : memref<1x1x128xi32, #tpu.memory_space<hbm>> -> memref<128xi32, #tpu.memory_space<hbm>>
      tpu.enqueue_dma source(%dma_start3A_142 : memref<128xi32, #tpu.memory_space<hbm>>) target(%arg12 : memref<128xi32, #tpu.memory_space<vmem>>) target_semaphore(%run_scoped3A_136 : memref<!tpu.dma_semaphore, #tpu.memory_space<semaphore_mem>>)
      %dma_wait3A_143 = arith.constant 0 : i32
      %dma_wait3A_144 = tpu.memref_slice %arg2[%add3A, %run_scoped3A_9, %dma_wait3A_143] : memref<32x8x128xi32, #tpu.memory_space<hbm>> -> memref<1x1x128xi32, #tpu.memory_space<hbm>>
      %dma_wait3A_145 = tpu.memref_squeeze %dma_wait3A_144 : memref<1x1x128xi32, #tpu.memory_space<hbm>> -> memref<128xi32, #tpu.memory_space<hbm>>
      %dma_wait3A_146 = arith.constant 0 : i32
      %dma_wait3A_147 = tpu.memref_slice %arg2[%add3A, %run_scoped3A_9, %dma_wait3A_146] : memref<32x8x128xi32, #tpu.memory_space<hbm>> -> memref<1x1x128xi32, #tpu.memory_space<hbm>>
      %dma_wait3A_148 = tpu.memref_squeeze %dma_wait3A_147 : memref<1x1x128xi32, #tpu.memory_space<hbm>> -> memref<128xi32, #tpu.memory_space<hbm>>
      tpu.wait_dma2 semaphore(%run_scoped3A_136 : memref<!tpu.dma_semaphore, #tpu.memory_space<semaphore_mem>>) src(%dma_wait3A_148 : memref<128xi32, #tpu.memory_space<hbm>>) dst(%arg12 : memref<128xi32, #tpu.memory_space<vmem>>)
      tpu.yield
    }) : () -> ()
    %dma_start3A = arith.constant 0 : i32
    %dma_start3A_10 = arith.constant 0 : i32
    %dma_start3A_11 = tpu.memref_slice %arg3[%dma_start3A, %dma_start3A_10] : memref<2048x256xf32, #tpu.memory_space<hbm>> -> memref<2048x256xf32, #tpu.memory_space<hbm>>
    tpu.enqueue_indirect_dma source(%dma_start3A_11 : memref<2048x256xf32, #tpu.memory_space<hbm>>) target(%arg13 : memref<128x256xf32, #tpu.memory_space<vmem>>) offsets(%arg5 : memref<128xi32, #tpu.memory_space<vmem>>) semaphore(%arg16 : memref<!tpu.dma_semaphore, #tpu.memory_space<semaphore_mem>>)
    %dma_start3A_12 = arith.constant 0 : i32
    %dma_start3A_13 = arith.constant 0 : i32
    %dma_start3A_14 = tpu.memref_slice %arg3[%dma_start3A_12, %dma_start3A_13] : memref<2048x256xf32, #tpu.memory_space<hbm>> -> memref<2048x256xf32, #tpu.memory_space<hbm>>
    tpu.enqueue_indirect_dma source(%dma_start3A_14 : memref<2048x256xf32, #tpu.memory_space<hbm>>) target(%arg14 : memref<128x256xf32, #tpu.memory_space<vmem>>) offsets(%arg6 : memref<128xi32, #tpu.memory_space<vmem>>) semaphore(%arg17 : memref<!tpu.dma_semaphore, #tpu.memory_space<semaphore_mem>>)
    %dma_start3A_15 = arith.constant 0 : i32
    %dma_start3A_16 = arith.constant 0 : i32
    %dma_start3A_17 = tpu.memref_slice %arg3[%dma_start3A_15, %dma_start3A_16] : memref<2048x256xf32, #tpu.memory_space<hbm>> -> memref<2048x256xf32, #tpu.memory_space<hbm>>
    tpu.enqueue_indirect_dma source(%dma_start3A_17 : memref<2048x256xf32, #tpu.memory_space<hbm>>) target(%arg15 : memref<128x256xf32, #tpu.memory_space<vmem>>) offsets(%arg7 : memref<128xi32, #tpu.memory_space<vmem>>) semaphore(%arg18 : memref<!tpu.dma_semaphore, #tpu.memory_space<semaphore_mem>>)
    %dma_wait3A = arith.constant 0 : i32
    %dma_wait3A_18 = arith.constant 0 : i32
    %dma_wait3A_19 = tpu.memref_slice %arg3[%dma_wait3A, %dma_wait3A_18] : memref<2048x256xf32, #tpu.memory_space<hbm>> -> memref<2048x256xf32, #tpu.memory_space<hbm>>
    tpu.wait_indirect_dma semaphore(%arg16 : memref<!tpu.dma_semaphore, #tpu.memory_space<semaphore_mem>>) src(%dma_wait3A_19 : memref<2048x256xf32, #tpu.memory_space<hbm>>) dst(%arg13 : memref<128x256xf32, #tpu.memory_space<vmem>>)
    %add3A_20 = arith.constant 0 : i32
    %add3A_21 = arith.addi %mul3A_2, %add3A_20 : i32
    %dma_start3A_22 = arith.constant 0 : i32
    %dma_start3A_23 = tpu.memref_slice %arg4[%add3A_21, %dma_start3A_22] : memref<32768x256xf32, #tpu.memory_space<hbm>> -> memref<128x256xf32, #tpu.memory_space<hbm>>
    %dma_start3A_24 = arith.constant 0 : i32
    %dma_start3A_25 = tpu.memref_slice %arg4[%add3A_21, %dma_start3A_24] : memref<32768x256xf32, #tpu.memory_space<hbm>> -> memref<128x256xf32, #tpu.memory_space<hbm>>
    tpu.enqueue_dma source(%arg13 : memref<128x256xf32, #tpu.memory_space<vmem>>) target(%dma_start3A_25 : memref<128x256xf32, #tpu.memory_space<hbm>>) target_semaphore(%arg19 : memref<!tpu.dma_semaphore, #tpu.memory_space<semaphore_mem>>)
    %dma_wait3A_26 = arith.constant 0 : i32
    %dma_wait3A_27 = tpu.memref_slice %arg4[%add3A_21, %dma_wait3A_26] : memref<32768x256xf32, #tpu.memory_space<hbm>> -> memref<128x256xf32, #tpu.memory_space<hbm>>
    %dma_wait3A_28 = arith.constant 0 : i32
    %dma_wait3A_29 = tpu.memref_slice %arg4[%add3A_21, %dma_wait3A_28] : memref<32768x256xf32, #tpu.memory_space<hbm>> -> memref<128x256xf32, #tpu.memory_space<hbm>>
    tpu.wait_dma2 semaphore(%arg19 : memref<!tpu.dma_semaphore, #tpu.memory_space<semaphore_mem>>) src(%arg13 : memref<128x256xf32, #tpu.memory_space<vmem>>) dst(%dma_wait3A_29 : memref<128x256xf32, #tpu.memory_space<hbm>>)
    %dma_start3A_30 = arith.constant 0 : i32
    %dma_start3A_31 = arith.constant 0 : i32
    %dma_start3A_32 = tpu.memref_slice %arg3[%dma_start3A_30, %dma_start3A_31] : memref<2048x256xf32, #tpu.memory_space<hbm>> -> memref<2048x256xf32, #tpu.memory_space<hbm>>
    tpu.enqueue_indirect_dma source(%dma_start3A_32 : memref<2048x256xf32, #tpu.memory_space<hbm>>) target(%arg13 : memref<128x256xf32, #tpu.memory_space<vmem>>) offsets(%arg8 : memref<128xi32, #tpu.memory_space<vmem>>) semaphore(%arg16 : memref<!tpu.dma_semaphore, #tpu.memory_space<semaphore_mem>>)
    %dma_wait3A_33 = arith.constant 0 : i32
    %dma_wait3A_34 = arith.constant 0 : i32
    %dma_wait3A_35 = tpu.memref_slice %arg3[%dma_wait3A_33, %dma_wait3A_34] : memref<2048x256xf32, #tpu.memory_space<hbm>> -> memref<2048x256xf32, #tpu.memory_space<hbm>>
    tpu.wait_indirect_dma semaphore(%arg17 : memref<!tpu.dma_semaphore, #tpu.memory_space<semaphore_mem>>) src(%dma_wait3A_35 : memref<2048x256xf32, #tpu.memory_space<hbm>>) dst(%arg14 : memref<128x256xf32, #tpu.memory_space<vmem>>)
    %add3A_36 = arith.constant 128 : i32
    %add3A_37 = arith.addi %mul3A_2, %add3A_36 : i32
    %dma_start3A_38 = arith.constant 0 : i32
    %dma_start3A_39 = tpu.memref_slice %arg4[%add3A_37, %dma_start3A_38] : memref<32768x256xf32, #tpu.memory_space<hbm>> -> memref<128x256xf32, #tpu.memory_space<hbm>>
    %dma_start3A_40 = arith.constant 0 : i32
    %dma_start3A_41 = tpu.memref_slice %arg4[%add3A_37, %dma_start3A_40] : memref<32768x256xf32, #tpu.memory_space<hbm>> -> memref<128x256xf32, #tpu.memory_space<hbm>>
    tpu.enqueue_dma source(%arg14 : memref<128x256xf32, #tpu.memory_space<vmem>>) target(%dma_start3A_41 : memref<128x256xf32, #tpu.memory_space<hbm>>) target_semaphore(%arg20 : memref<!tpu.dma_semaphore, #tpu.memory_space<semaphore_mem>>)
    %dma_wait3A_42 = arith.constant 0 : i32
    %dma_wait3A_43 = tpu.memref_slice %arg4[%add3A_37, %dma_wait3A_42] : memref<32768x256xf32, #tpu.memory_space<hbm>> -> memref<128x256xf32, #tpu.memory_space<hbm>>
    %dma_wait3A_44 = arith.constant 0 : i32
    %dma_wait3A_45 = tpu.memref_slice %arg4[%add3A_37, %dma_wait3A_44] : memref<32768x256xf32, #tpu.memory_space<hbm>> -> memref<128x256xf32, #tpu.memory_space<hbm>>
    tpu.wait_dma2 semaphore(%arg20 : memref<!tpu.dma_semaphore, #tpu.memory_space<semaphore_mem>>) src(%arg14 : memref<128x256xf32, #tpu.memory_space<vmem>>) dst(%dma_wait3A_45 : memref<128x256xf32, #tpu.memory_space<hbm>>)
    %dma_start3A_46 = arith.constant 0 : i32
    %dma_start3A_47 = arith.constant 0 : i32
    %dma_start3A_48 = tpu.memref_slice %arg3[%dma_start3A_46, %dma_start3A_47] : memref<2048x256xf32, #tpu.memory_space<hbm>> -> memref<2048x256xf32, #tpu.memory_space<hbm>>
    tpu.enqueue_indirect_dma source(%dma_start3A_48 : memref<2048x256xf32, #tpu.memory_space<hbm>>) target(%arg14 : memref<128x256xf32, #tpu.memory_space<vmem>>) offsets(%arg9 : memref<128xi32, #tpu.memory_space<vmem>>) semaphore(%arg17 : memref<!tpu.dma_semaphore, #tpu.memory_space<semaphore_mem>>)
    %dma_wait3A_49 = arith.constant 0 : i32
    %dma_wait3A_50 = arith.constant 0 : i32
    %dma_wait3A_51 = tpu.memref_slice %arg3[%dma_wait3A_49, %dma_wait3A_50] : memref<2048x256xf32, #tpu.memory_space<hbm>> -> memref<2048x256xf32, #tpu.memory_space<hbm>>
    tpu.wait_indirect_dma semaphore(%arg18 : memref<!tpu.dma_semaphore, #tpu.memory_space<semaphore_mem>>) src(%dma_wait3A_51 : memref<2048x256xf32, #tpu.memory_space<hbm>>) dst(%arg15 : memref<128x256xf32, #tpu.memory_space<vmem>>)
    %add3A_52 = arith.constant 256 : i32
    %add3A_53 = arith.addi %mul3A_2, %add3A_52 : i32
    %dma_start3A_54 = arith.constant 0 : i32
    %dma_start3A_55 = tpu.memref_slice %arg4[%add3A_53, %dma_start3A_54] : memref<32768x256xf32, #tpu.memory_space<hbm>> -> memref<128x256xf32, #tpu.memory_space<hbm>>
    %dma_start3A_56 = arith.constant 0 : i32
    %dma_start3A_57 = tpu.memref_slice %arg4[%add3A_53, %dma_start3A_56] : memref<32768x256xf32, #tpu.memory_space<hbm>> -> memref<128x256xf32, #tpu.memory_space<hbm>>
    tpu.enqueue_dma source(%arg15 : memref<128x256xf32, #tpu.memory_space<vmem>>) target(%dma_start3A_57 : memref<128x256xf32, #tpu.memory_space<hbm>>) target_semaphore(%arg21 : memref<!tpu.dma_semaphore, #tpu.memory_space<semaphore_mem>>)
    %dma_wait3A_58 = arith.constant 0 : i32
    %dma_wait3A_59 = tpu.memref_slice %arg4[%add3A_53, %dma_wait3A_58] : memref<32768x256xf32, #tpu.memory_space<hbm>> -> memref<128x256xf32, #tpu.memory_space<hbm>>
    %dma_wait3A_60 = arith.constant 0 : i32
    %dma_wait3A_61 = tpu.memref_slice %arg4[%add3A_53, %dma_wait3A_60] : memref<32768x256xf32, #tpu.memory_space<hbm>> -> memref<128x256xf32, #tpu.memory_space<hbm>>
    tpu.wait_dma2 semaphore(%arg21 : memref<!tpu.dma_semaphore, #tpu.memory_space<semaphore_mem>>) src(%arg15 : memref<128x256xf32, #tpu.memory_space<vmem>>) dst(%dma_wait3A_61 : memref<128x256xf32, #tpu.memory_space<hbm>>)
    %dma_start3A_62 = arith.constant 0 : i32
    %dma_start3A_63 = arith.constant 0 : i32
    %dma_start3A_64 = tpu.memref_slice %arg3[%dma_start3A_62, %dma_start3A_63] : memref<2048x256xf32, #tpu.memory_space<hbm>> -> memref<2048x256xf32, #tpu.memory_space<hbm>>
    tpu.enqueue_indirect_dma source(%dma_start3A_64 : memref<2048x256xf32, #tpu.memory_space<hbm>>) target(%arg15 : memref<128x256xf32, #tpu.memory_space<vmem>>) offsets(%arg10 : memref<128xi32, #tpu.memory_space<vmem>>) semaphore(%arg18 : memref<!tpu.dma_semaphore, #tpu.memory_space<semaphore_mem>>)
    %dma_wait3A_65 = arith.constant 0 : i32
    %dma_wait3A_66 = arith.constant 0 : i32
    %dma_wait3A_67 = tpu.memref_slice %arg3[%dma_wait3A_65, %dma_wait3A_66] : memref<2048x256xf32, #tpu.memory_space<hbm>> -> memref<2048x256xf32, #tpu.memory_space<hbm>>
    tpu.wait_indirect_dma semaphore(%arg16 : memref<!tpu.dma_semaphore, #tpu.memory_space<semaphore_mem>>) src(%dma_wait3A_67 : memref<2048x256xf32, #tpu.memory_space<hbm>>) dst(%arg13 : memref<128x256xf32, #tpu.memory_space<vmem>>)
    %add3A_68 = arith.constant 384 : i32
    %add3A_69 = arith.addi %mul3A_2, %add3A_68 : i32
    %dma_start3A_70 = arith.constant 0 : i32
    %dma_start3A_71 = tpu.memref_slice %arg4[%add3A_69, %dma_start3A_70] : memref<32768x256xf32, #tpu.memory_space<hbm>> -> memref<128x256xf32, #tpu.memory_space<hbm>>
    %dma_start3A_72 = arith.constant 0 : i32
    %dma_start3A_73 = tpu.memref_slice %arg4[%add3A_69, %dma_start3A_72] : memref<32768x256xf32, #tpu.memory_space<hbm>> -> memref<128x256xf32, #tpu.memory_space<hbm>>
    tpu.enqueue_dma source(%arg13 : memref<128x256xf32, #tpu.memory_space<vmem>>) target(%dma_start3A_73 : memref<128x256xf32, #tpu.memory_space<hbm>>) target_semaphore(%arg19 : memref<!tpu.dma_semaphore, #tpu.memory_space<semaphore_mem>>)
    %dma_wait3A_74 = arith.constant 0 : i32
    %dma_wait3A_75 = tpu.memref_slice %arg4[%add3A_69, %dma_wait3A_74] : memref<32768x256xf32, #tpu.memory_space<hbm>> -> memref<128x256xf32, #tpu.memory_space<hbm>>
    %dma_wait3A_76 = arith.constant 0 : i32
    %dma_wait3A_77 = tpu.memref_slice %arg4[%add3A_69, %dma_wait3A_76] : memref<32768x256xf32, #tpu.memory_space<hbm>> -> memref<128x256xf32, #tpu.memory_space<hbm>>
    tpu.wait_dma2 semaphore(%arg19 : memref<!tpu.dma_semaphore, #tpu.memory_space<semaphore_mem>>) src(%arg13 : memref<128x256xf32, #tpu.memory_space<vmem>>) dst(%dma_wait3A_77 : memref<128x256xf32, #tpu.memory_space<hbm>>)
    %dma_start3A_78 = arith.constant 0 : i32
    %dma_start3A_79 = arith.constant 0 : i32
    %dma_start3A_80 = tpu.memref_slice %arg3[%dma_start3A_78, %dma_start3A_79] : memref<2048x256xf32, #tpu.memory_space<hbm>> -> memref<2048x256xf32, #tpu.memory_space<hbm>>
    tpu.enqueue_indirect_dma source(%dma_start3A_80 : memref<2048x256xf32, #tpu.memory_space<hbm>>) target(%arg13 : memref<128x256xf32, #tpu.memory_space<vmem>>) offsets(%arg11 : memref<128xi32, #tpu.memory_space<vmem>>) semaphore(%arg16 : memref<!tpu.dma_semaphore, #tpu.memory_space<semaphore_mem>>)
    %dma_wait3A_81 = arith.constant 0 : i32
    %dma_wait3A_82 = arith.constant 0 : i32
    %dma_wait3A_83 = tpu.memref_slice %arg3[%dma_wait3A_81, %dma_wait3A_82] : memref<2048x256xf32, #tpu.memory_space<hbm>> -> memref<2048x256xf32, #tpu.memory_space<hbm>>
    tpu.wait_indirect_dma semaphore(%arg17 : memref<!tpu.dma_semaphore, #tpu.memory_space<semaphore_mem>>) src(%dma_wait3A_83 : memref<2048x256xf32, #tpu.memory_space<hbm>>) dst(%arg14 : memref<128x256xf32, #tpu.memory_space<vmem>>)
    %add3A_84 = arith.constant 512 : i32
    %add3A_85 = arith.addi %mul3A_2, %add3A_84 : i32
    %dma_start3A_86 = arith.constant 0 : i32
    %dma_start3A_87 = tpu.memref_slice %arg4[%add3A_85, %dma_start3A_86] : memref<32768x256xf32, #tpu.memory_space<hbm>> -> memref<128x256xf32, #tpu.memory_space<hbm>>
    %dma_start3A_88 = arith.constant 0 : i32
    %dma_start3A_89 = tpu.memref_slice %arg4[%add3A_85, %dma_start3A_88] : memref<32768x256xf32, #tpu.memory_space<hbm>> -> memref<128x256xf32, #tpu.memory_space<hbm>>
    tpu.enqueue_dma source(%arg14 : memref<128x256xf32, #tpu.memory_space<vmem>>) target(%dma_start3A_89 : memref<128x256xf32, #tpu.memory_space<hbm>>) target_semaphore(%arg20 : memref<!tpu.dma_semaphore, #tpu.memory_space<semaphore_mem>>)
    %dma_wait3A_90 = arith.constant 0 : i32
    %dma_wait3A_91 = tpu.memref_slice %arg4[%add3A_85, %dma_wait3A_90] : memref<32768x256xf32, #tpu.memory_space<hbm>> -> memref<128x256xf32, #tpu.memory_space<hbm>>
    %dma_wait3A_92 = arith.constant 0 : i32
    %dma_wait3A_93 = tpu.memref_slice %arg4[%add3A_85, %dma_wait3A_92] : memref<32768x256xf32, #tpu.memory_space<hbm>> -> memref<128x256xf32, #tpu.memory_space<hbm>>
    tpu.wait_dma2 semaphore(%arg20 : memref<!tpu.dma_semaphore, #tpu.memory_space<semaphore_mem>>) src(%arg14 : memref<128x256xf32, #tpu.memory_space<vmem>>) dst(%dma_wait3A_93 : memref<128x256xf32, #tpu.memory_space<hbm>>)
    %dma_start3A_94 = arith.constant 0 : i32
    %dma_start3A_95 = arith.constant 0 : i32
    %dma_start3A_96 = tpu.memref_slice %arg3[%dma_start3A_94, %dma_start3A_95] : memref<2048x256xf32, #tpu.memory_space<hbm>> -> memref<2048x256xf32, #tpu.memory_space<hbm>>
    tpu.enqueue_indirect_dma source(%dma_start3A_96 : memref<2048x256xf32, #tpu.memory_space<hbm>>) target(%arg14 : memref<128x256xf32, #tpu.memory_space<vmem>>) offsets(%arg12 : memref<128xi32, #tpu.memory_space<vmem>>) semaphore(%arg17 : memref<!tpu.dma_semaphore, #tpu.memory_space<semaphore_mem>>)
    %dma_wait3A_97 = arith.constant 0 : i32
    %dma_wait3A_98 = arith.constant 0 : i32
    %dma_wait3A_99 = tpu.memref_slice %arg3[%dma_wait3A_97, %dma_wait3A_98] : memref<2048x256xf32, #tpu.memory_space<hbm>> -> memref<2048x256xf32, #tpu.memory_space<hbm>>
    tpu.wait_indirect_dma semaphore(%arg18 : memref<!tpu.dma_semaphore, #tpu.memory_space<semaphore_mem>>) src(%dma_wait3A_99 : memref<2048x256xf32, #tpu.memory_space<hbm>>) dst(%arg15 : memref<128x256xf32, #tpu.memory_space<vmem>>)
    %add3A_100 = arith.constant 640 : i32
    %add3A_101 = arith.addi %mul3A_2, %add3A_100 : i32
    %dma_start3A_102 = arith.constant 0 : i32
    %dma_start3A_103 = tpu.memref_slice %arg4[%add3A_101, %dma_start3A_102] : memref<32768x256xf32, #tpu.memory_space<hbm>> -> memref<128x256xf32, #tpu.memory_space<hbm>>
    %dma_start3A_104 = arith.constant 0 : i32
    %dma_start3A_105 = tpu.memref_slice %arg4[%add3A_101, %dma_start3A_104] : memref<32768x256xf32, #tpu.memory_space<hbm>> -> memref<128x256xf32, #tpu.memory_space<hbm>>
    tpu.enqueue_dma source(%arg15 : memref<128x256xf32, #tpu.memory_space<vmem>>) target(%dma_start3A_105 : memref<128x256xf32, #tpu.memory_space<hbm>>) target_semaphore(%arg21 : memref<!tpu.dma_semaphore, #tpu.memory_space<semaphore_mem>>)
    %dma_wait3A_106 = arith.constant 0 : i32
    %dma_wait3A_107 = arith.constant 0 : i32
    %dma_wait3A_108 = tpu.memref_slice %arg3[%dma_wait3A_106, %dma_wait3A_107] : memref<2048x256xf32, #tpu.memory_space<hbm>> -> memref<2048x256xf32, #tpu.memory_space<hbm>>
    tpu.wait_indirect_dma semaphore(%arg16 : memref<!tpu.dma_semaphore, #tpu.memory_space<semaphore_mem>>) src(%dma_wait3A_108 : memref<2048x256xf32, #tpu.memory_space<hbm>>) dst(%arg13 : memref<128x256xf32, #tpu.memory_space<vmem>>)
    %add3A_109 = arith.constant 768 : i32
    %add3A_110 = arith.addi %mul3A_2, %add3A_109 : i32
    %dma_start3A_111 = arith.constant 0 : i32
    %dma_start3A_112 = tpu.memref_slice %arg4[%add3A_110, %dma_start3A_111] : memref<32768x256xf32, #tpu.memory_space<hbm>> -> memref<128x256xf32, #tpu.memory_space<hbm>>
    %dma_start3A_113 = arith.constant 0 : i32
    %dma_start3A_114 = tpu.memref_slice %arg4[%add3A_110, %dma_start3A_113] : memref<32768x256xf32, #tpu.memory_space<hbm>> -> memref<128x256xf32, #tpu.memory_space<hbm>>
    tpu.enqueue_dma source(%arg13 : memref<128x256xf32, #tpu.memory_space<vmem>>) target(%dma_start3A_114 : memref<128x256xf32, #tpu.memory_space<hbm>>) target_semaphore(%arg19 : memref<!tpu.dma_semaphore, #tpu.memory_space<semaphore_mem>>)
    %dma_wait3A_115 = arith.constant 0 : i32
    %dma_wait3A_116 = arith.constant 0 : i32
    %dma_wait3A_117 = tpu.memref_slice %arg3[%dma_wait3A_115, %dma_wait3A_116] : memref<2048x256xf32, #tpu.memory_space<hbm>> -> memref<2048x256xf32, #tpu.memory_space<hbm>>
    tpu.wait_indirect_dma semaphore(%arg17 : memref<!tpu.dma_semaphore, #tpu.memory_space<semaphore_mem>>) src(%dma_wait3A_117 : memref<2048x256xf32, #tpu.memory_space<hbm>>) dst(%arg14 : memref<128x256xf32, #tpu.memory_space<vmem>>)
    %add3A_118 = arith.constant 896 : i32
    %add3A_119 = arith.addi %mul3A_2, %add3A_118 : i32
    %dma_start3A_120 = arith.constant 0 : i32
    %dma_start3A_121 = tpu.memref_slice %arg4[%add3A_119, %dma_start3A_120] : memref<32768x256xf32, #tpu.memory_space<hbm>> -> memref<128x256xf32, #tpu.memory_space<hbm>>
    %dma_start3A_122 = arith.constant 0 : i32
    %dma_start3A_123 = tpu.memref_slice %arg4[%add3A_119, %dma_start3A_122] : memref<32768x256xf32, #tpu.memory_space<hbm>> -> memref<128x256xf32, #tpu.memory_space<hbm>>
    tpu.enqueue_dma source(%arg14 : memref<128x256xf32, #tpu.memory_space<vmem>>) target(%dma_start3A_123 : memref<128x256xf32, #tpu.memory_space<hbm>>) target_semaphore(%arg20 : memref<!tpu.dma_semaphore, #tpu.memory_space<semaphore_mem>>)
    %dma_wait3A_124 = arith.constant 0 : i32
    %dma_wait3A_125 = tpu.memref_slice %arg4[%add3A_101, %dma_wait3A_124] : memref<32768x256xf32, #tpu.memory_space<hbm>> -> memref<128x256xf32, #tpu.memory_space<hbm>>
    %dma_wait3A_126 = arith.constant 0 : i32
    %dma_wait3A_127 = tpu.memref_slice %arg4[%add3A_101, %dma_wait3A_126] : memref<32768x256xf32, #tpu.memory_space<hbm>> -> memref<128x256xf32, #tpu.memory_space<hbm>>
    tpu.wait_dma2 semaphore(%arg21 : memref<!tpu.dma_semaphore, #tpu.memory_space<semaphore_mem>>) src(%arg15 : memref<128x256xf32, #tpu.memory_space<vmem>>) dst(%dma_wait3A_127 : memref<128x256xf32, #tpu.memory_space<hbm>>)
    %dma_wait3A_128 = arith.constant 0 : i32
    %dma_wait3A_129 = tpu.memref_slice %arg4[%add3A_110, %dma_wait3A_128] : memref<32768x256xf32, #tpu.memory_space<hbm>> -> memref<128x256xf32, #tpu.memory_space<hbm>>
    %dma_wait3A_130 = arith.constant 0 : i32
    %dma_wait3A_131 = tpu.memref_slice %arg4[%add3A_110, %dma_wait3A_130] : memref<32768x256xf32, #tpu.memory_space<hbm>> -> memref<128x256xf32, #tpu.memory_space<hbm>>
    tpu.wait_dma2 semaphore(%arg19 : memref<!tpu.dma_semaphore, #tpu.memory_space<semaphore_mem>>) src(%arg13 : memref<128x256xf32, #tpu.memory_space<vmem>>) dst(%dma_wait3A_131 : memref<128x256xf32, #tpu.memory_space<hbm>>)
    %dma_wait3A_132 = arith.constant 0 : i32
    %dma_wait3A_133 = tpu.memref_slice %arg4[%add3A_119, %dma_wait3A_132] : memref<32768x256xf32, #tpu.memory_space<hbm>> -> memref<128x256xf32, #tpu.memory_space<hbm>>
    %dma_wait3A_134 = arith.constant 0 : i32
    %dma_wait3A_135 = tpu.memref_slice %arg4[%add3A_119, %dma_wait3A_134] : memref<32768x256xf32, #tpu.memory_space<hbm>> -> memref<128x256xf32, #tpu.memory_space<hbm>>
    tpu.wait_dma2 semaphore(%arg20 : memref<!tpu.dma_semaphore, #tpu.memory_space<semaphore_mem>>) src(%arg14 : memref<128x256xf32, #tpu.memory_space<vmem>>) dst(%dma_wait3A_135 : memref<128x256xf32, #tpu.memory_space<hbm>>)
    return
  }
}

module attributes {stable_mosaic.version = 14 : i64} {
  func.func @_dist_argmin_kernel(%arg0: i32, %arg1: memref<1x256x512xf32, #tpu.memory_space<vmem>>, %arg2: memref<2048x256xf32, #tpu.memory_space<vmem>>, %arg3: memref<512x1xi32, #tpu.memory_space<vmem>>, %arg4: memref<512x2048xf32, #tpu.memory_space<vmem>>, %arg5: memref<1x1xf32, #tpu.memory_space<vmem>>, %arg6: memref<1x1xf32, #tpu.memory_space<vmem>>, %arg7: memref<1x2048xf32, #tpu.memory_space<vmem>>, %arg8: memref<8x2048xf32, #tpu.memory_space<vmem>>, %arg9: memref<1xf32, #tpu.memory_space<smem>>) attributes {dimension_semantics = [#tpu.dimension_semantics<arbitrary>], iteration_bounds = array<i64: 64>, scalar_prefetch = 0 : i64, scratch_operands = 3 : i64, tpu.core_type = #tpu.core_type<tc>, window_params = [{transform_indices = @transform_0, window_bounds = array<i64: 1, 256, 512>}, {pipeline_mode = #tpu.pipeline_mode<synchronous>, transform_indices = @transform_1, window_bounds = array<i64: 2048, 256>}, {transform_indices = @transform_2, window_bounds = array<i64: 512, 1>}, {transform_indices = @transform_3, window_bounds = array<i64: 512, 2048>}, {pipeline_mode = #tpu.pipeline_mode<synchronous>, transform_indices = @transform_4, window_bounds = array<i64: 1, 1>}, {pipeline_mode = #tpu.pipeline_mode<synchronous>, transform_indices = @transform_5, window_bounds = array<i64: 1, 1>}]} {
    %get3A = arith.constant 0 : index
    %get3A_0 = arith.constant 0 : index
    %get3A_1 = arith.constant 0 : index
    %get3A_2 = vector.load %arg1[%get3A, %get3A_0, %get3A_1] : memref<1x256x512xf32, #tpu.memory_space<vmem>>, vector<1x256x512xf32>
    %get3A_3 = vector.shape_cast %get3A_2 : vector<1x256x512xf32> to vector<256x512xf32>
    %get3A_4 = arith.constant 0 : index
    %get3A_5 = arith.constant 0 : index
    %get3A_6 = vector.load %arg2[%get3A_4, %get3A_5] : memref<2048x256xf32, #tpu.memory_space<vmem>>, vector<2048x256xf32>
    %eq3A = arith.constant 0 : i32
    %eq3A_7 = arith.cmpi eq, %arg0, %eq3A : i32
    %convert_element_type3A = arith.extui %eq3A_7 : i1 to i32
    %cond3A = arith.constant 0 : i32
    %cond3A_8 = arith.cmpi ne, %convert_element_type3A, %cond3A : i32
    scf.if %cond3A_8 {
      %mul3A_63 = arith.mulf %get3A_6, %get3A_6 : vector<2048x256xf32>
      %reduce_sum3A_64 = arith.constant dense<0.000000e+00> : vector<2048xf32>
      %reduce_sum3A_65 = vector.multi_reduction <add>, %mul3A_63, %reduce_sum3A_64 [1] : vector<2048x256xf32> to vector<2048xf32>
      %mul3A_66 = arith.constant 2.500000e-01 : f32
      %mul3A_67 = vector.broadcast %mul3A_66 : f32 to vector<2048xf32>
      %mul3A_68 = arith.mulf %reduce_sum3A_65, %mul3A_67 : vector<2048xf32>
      %broadcast_in_dim3A_69 = vector.shape_cast %mul3A_68 : vector<2048xf32> to vector<1x2048xf32>
      %swap3A_70 = arith.constant 0 : index
      %swap3A_71 = arith.constant 0 : index
      %swap3A_72 = vector.load %arg7[%swap3A_70, %swap3A_71] : memref<1x2048xf32, #tpu.memory_space<vmem>>, vector<1x2048xf32>
      tpu.vector_store %arg7[%swap3A_70, %swap3A_71], %broadcast_in_dim3A_69 {strides = array<i32>} : memref<1x2048xf32, #tpu.memory_space<vmem>>, vector<1x2048xf32>,
      %broadcast_in_dim3A_73 = arith.constant 0.000000e+00 : f32
      %broadcast_in_dim3A_74 = vector.broadcast %broadcast_in_dim3A_73 : f32 to vector<8x2048xf32>
      %swap3A_75 = arith.constant 0 : index
      %swap3A_76 = arith.constant 0 : index
      %swap3A_77 = vector.load %arg8[%swap3A_75, %swap3A_76] : memref<8x2048xf32, #tpu.memory_space<vmem>>, vector<8x2048xf32>
      tpu.vector_store %arg8[%swap3A_75, %swap3A_76], %broadcast_in_dim3A_74 {strides = array<i32>} : memref<8x2048xf32, #tpu.memory_space<vmem>>, vector<8x2048xf32>,
      %swap3A_78 = arith.constant 0.000000e+00 : f32
      %swap3A_79 = arith.constant 0 : index
      %swap3A_80 = memref.load %arg9[%swap3A_79] : memref<1xf32, #tpu.memory_space<smem>>
      memref.store %swap3A_78, %arg9[%swap3A_79] : memref<1xf32, #tpu.memory_space<smem>>
    } else {
    }
    %dot_general3A = arith.constant dense<0.000000e+00> : vector<512x2048xf32>
    %dot_general3A_9 = tpu.matmul %get3A_3, %get3A_6, %dot_general3A {dimension_numbers = #tpu.dot_dimension_numbers<[0], [1], [1], [0], [0, 1, 1, 0], [], []>, transpose_lhs_hint = false} : vector<256x512xf32>, vector<2048x256xf32>, vector<512x2048xf32> -> vector<512x2048xf32>
    %mul3A = arith.mulf %get3A_3, %get3A_3 : vector<256x512xf32>
    %reduce_sum3A = arith.constant dense<0.000000e+00> : vector<512xf32>
    %reduce_sum3A_10 = vector.multi_reduction <add>, %mul3A, %reduce_sum3A [0] : vector<256x512xf32> to vector<512xf32>
    %broadcast_in_dim3A = vector.shape_cast %reduce_sum3A_10 : vector<512xf32> to vector<512x1xf32>
    %get3A_11 = arith.constant 0 : index
    %get3A_12 = arith.constant 0 : index
    %get3A_13 = vector.load %arg7[%get3A_11, %get3A_12] : memref<1x2048xf32, #tpu.memory_space<vmem>>, vector<1x2048xf32>
    %add3A = vector.broadcast %broadcast_in_dim3A : vector<512x1xf32> to vector<512x2048xf32>
    %add3A_14 = vector.broadcast %get3A_13 : vector<1x2048xf32> to vector<512x2048xf32>
    %add3A_15 = arith.addf %add3A, %add3A_14 : vector<512x2048xf32>
    %sub3A = arith.subf %add3A_15, %dot_general3A_9 : vector<512x2048xf32>
    %reduce_min3A = arith.constant dense<0x7F800000> : vector<512xf32>
    %reduce_min3A_16 = vector.multi_reduction <minimumf>, %sub3A, %reduce_min3A [1] : vector<512x2048xf32> to vector<512xf32>
    %broadcast_in_dim3A_17 = vector.shape_cast %reduce_min3A_16 : vector<512xf32> to vector<512x1xf32>
    %eq3A_18 = vector.broadcast %broadcast_in_dim3A_17 : vector<512x1xf32> to vector<512x2048xf32>
    %eq3A_19 = arith.cmpf oeq, %sub3A, %eq3A_18 : vector<512x2048xf32>
    %jit3A = arith.constant 1.000000e+00 : f32
    %jit3A_20 = arith.constant 0.000000e+00 : f32
    %broadcast_in_dim3A_21 = vector.broadcast %jit3A : f32 to vector<512x2048xf32>
    %broadcast_in_dim3A_22 = vector.broadcast %jit3A_20 : f32 to vector<512x2048xf32>
    %select_n3A = arith.select %eq3A_19, %broadcast_in_dim3A_21, %broadcast_in_dim3A_22 : vector<512x2048xi1>, vector<512x2048xf32>
    %swap3A = arith.constant 0 : index
    %swap3A_23 = arith.constant 0 : index
    %swap3A_24 = vector.load %arg4[%swap3A, %swap3A_23] : memref<512x2048xf32, #tpu.memory_space<vmem>>, vector<512x2048xf32>
    tpu.vector_store %arg4[%swap3A, %swap3A_23], %select_n3A {strides = array<i32>} : memref<512x2048xf32, #tpu.memory_space<vmem>>, vector<512x2048xf32>,
    %get3A_25 = arith.constant 0 : index
    %get3A_26 = arith.constant 0 : index
    %get3A_27 = vector.load %arg4[%get3A_25, %get3A_26] : memref<512x2048xf32, #tpu.memory_space<vmem>>, vector<512x2048xf32>
    %iota3A = tpu.iota {dimensions = array<i32: 1>} : vector<512x2048xi32>
    %jit3A_28 = arith.constant 2048 : i32
    %broadcast_in_dim3A_29 = vector.broadcast %jit3A_28 : i32 to vector<512x2048xi32>
    %select_n3A_30 = arith.select %eq3A_19, %iota3A, %broadcast_in_dim3A_29 : vector<512x2048xi1>, vector<512x2048xi32>
    %reduce_min3A_31 = arith.constant dense<2147483647> : vector<512xi32>
    %reduce_min3A_32 = vector.multi_reduction <minsi>, %select_n3A_30, %reduce_min3A_31 [1] : vector<512x2048xi32> to vector<512xi32>
    %broadcast_in_dim3A_33 = vector.shape_cast %reduce_min3A_32 : vector<512xi32> to vector<512x1xi32>
    %swap3A_34 = arith.constant 0 : index
    %swap3A_35 = arith.constant 0 : index
    %swap3A_36 = vector.load %arg3[%swap3A_34, %swap3A_35] : memref<512x1xi32, #tpu.memory_space<vmem>>, vector<512x1xi32>
    tpu.vector_store %arg3[%swap3A_34, %swap3A_35], %broadcast_in_dim3A_33 {strides = array<i32>} : memref<512x1xi32, #tpu.memory_space<vmem>>, vector<512x1xi32>,
    %get3A_37 = arith.constant 0 : index
    %get3A_38 = arith.constant 0 : index
    %get3A_39 = vector.load %arg8[%get3A_37, %get3A_38] : memref<8x2048xf32, #tpu.memory_space<vmem>>, vector<8x2048xf32>
    %broadcast_in_dim3A_40 = arith.constant 1.000000e+00 : f32
    %broadcast_in_dim3A_41 = vector.broadcast %broadcast_in_dim3A_40 : f32 to vector<8x512xf32>
    %dot_general3A_42 = arith.constant dense<0.000000e+00> : vector<8x2048xf32>
    %dot_general3A_43 = tpu.matmul %broadcast_in_dim3A_41, %get3A_27, %dot_general3A_42 {dimension_numbers = #tpu.dot_dimension_numbers<[1], [0], [0], [1], [0, 0, 1, 1], [], []>, transpose_lhs_hint = false} : vector<8x512xf32>, vector<512x2048xf32>, vector<8x2048xf32> -> vector<8x2048xf32>
    %add3A_44 = arith.addf %get3A_39, %dot_general3A_43 : vector<8x2048xf32>
    %swap3A_45 = arith.constant 0 : index
    %swap3A_46 = arith.constant 0 : index
    %swap3A_47 = vector.load %arg8[%swap3A_45, %swap3A_46] : memref<8x2048xf32, #tpu.memory_space<vmem>>, vector<8x2048xf32>
    tpu.vector_store %arg8[%swap3A_45, %swap3A_46], %add3A_44 {strides = array<i32>} : memref<8x2048xf32, #tpu.memory_space<vmem>>, vector<8x2048xf32>,
    %get3A_48 = arith.constant 0 : index
    %get3A_49 = memref.load %arg9[%get3A_48] : memref<1xf32, #tpu.memory_space<smem>>
    %reduce_sum3A_50 = vector.shape_cast %broadcast_in_dim3A_17 : vector<512x1xf32> to vector<1x512x1xf32>
    %reduce_sum3A_51 = arith.constant dense<0.000000e+00> : vector<1xf32>
    %reduce_sum3A_52 = vector.multi_reduction <add>, %reduce_sum3A_50, %reduce_sum3A_51 [1, 2] : vector<1x512x1xf32> to vector<1xf32>
    %reduce_sum3A_53 = vector.shape_cast %reduce_sum3A_52 : vector<1xf32> to vector<1x1x1xf32>
    %reduce_sum3A_54 = vector.extract %reduce_sum3A_53[0, 0, 0] : f32 from vector<1x1x1xf32>
    %add3A_55 = arith.addf %get3A_49, %reduce_sum3A_54 : f32
    %swap3A_56 = arith.constant 0 : index
    %swap3A_57 = memref.load %arg9[%swap3A_56] : memref<1xf32, #tpu.memory_space<smem>>
    memref.store %add3A_55, %arg9[%swap3A_56] : memref<1xf32, #tpu.memory_space<smem>>
    %eq3A_58 = arith.constant 63 : i32
    %eq3A_59 = arith.cmpi eq, %arg0, %eq3A_58 : i32
    %convert_element_type3A_60 = arith.extui %eq3A_59 : i1 to i32
    %cond3A_61 = arith.constant 0 : i32
    %cond3A_62 = arith.cmpi ne, %convert_element_type3A_60, %cond3A_61 : i32
    scf.if %cond3A_62 {
      %broadcast_in_dim3A_63 = arith.constant 1.49011612E-7 : f32
      %broadcast_in_dim3A_64 = vector.broadcast %broadcast_in_dim3A_63 : f32 to vector<1x1xf32>
      %get3A_65 = arith.constant 0 : index
      %get3A_66 = memref.load %arg9[%get3A_65] : memref<1xf32, #tpu.memory_space<smem>>
      %mul3A_67 = vector.broadcast %get3A_66 : f32 to vector<1x1xf32>
      %mul3A_68 = arith.mulf %broadcast_in_dim3A_64, %mul3A_67 : vector<1x1xf32>
      %swap3A_69 = arith.constant 0 : index
      %swap3A_70 = arith.constant 0 : index
      %swap3A_71 = vector.load %arg5[%swap3A_69, %swap3A_70] : memref<1x1xf32, #tpu.memory_space<vmem>>, vector<1x1xf32>
      tpu.vector_store %arg5[%swap3A_69, %swap3A_70], %mul3A_68 {strides = array<i32>} : memref<1x1xf32, #tpu.memory_space<vmem>>, vector<1x1xf32>,
      %get3A_72 = arith.constant 0 : index
      %get3A_73 = arith.constant 0 : index
      %get3A_74 = vector.load %arg8[%get3A_72, %get3A_73] : memref<8x2048xf32, #tpu.memory_space<vmem>>, vector<1x2048xf32>
      %mul3A_75 = arith.constant 3.05175781E-5 : f32
      %mul3A_76 = vector.broadcast %mul3A_75 : f32 to vector<1x2048xf32>
      %mul3A_77 = arith.mulf %get3A_74, %mul3A_76 : vector<1x2048xf32>
      %add3A_78 = arith.constant 1.000000e-10 : f32
      %add3A_79 = vector.broadcast %add3A_78 : f32 to vector<1x2048xf32>
      %add3A_80 = arith.addf %mul3A_77, %add3A_79 : vector<1x2048xf32>
      %log3A = math.log %add3A_80 : vector<1x2048xf32>
      %mul3A_81 = arith.mulf %mul3A_77, %log3A : vector<1x2048xf32>
      %reduce_sum3A_82 = vector.shape_cast %mul3A_81 : vector<1x2048xf32> to vector<1x1x2048xf32>
      %reduce_sum3A_83 = arith.constant dense<0.000000e+00> : vector<1xf32>
      %reduce_sum3A_84 = vector.multi_reduction <add>, %reduce_sum3A_82, %reduce_sum3A_83 [1, 2] : vector<1x1x2048xf32> to vector<1xf32>
      %reduce_sum3A_85 = vector.shape_cast %reduce_sum3A_84 : vector<1xf32> to vector<1x1x1xf32>
      %reduce_sum3A_86 = vector.extract %reduce_sum3A_85[0, 0, 0] : f32 from vector<1x1x1xf32>
      %broadcast_in_dim3A_87 = vector.broadcast %reduce_sum3A_86 : f32 to vector<1x1xf32>
      %neg3A = arith.constant 0.000000e+00 : f32
      %neg3A_88 = vector.broadcast %neg3A : f32 to vector<1x1xf32>
      %neg3A_89 = arith.subf %neg3A_88, %broadcast_in_dim3A_87 : vector<1x1xf32>
      %exp3A = math.exp %neg3A_89 : vector<1x1xf32>
      %swap3A_90 = arith.constant 0 : index
      %swap3A_91 = arith.constant 0 : index
      %swap3A_92 = vector.load %arg6[%swap3A_90, %swap3A_91] : memref<1x1xf32, #tpu.memory_space<vmem>>, vector<1x1xf32>
      tpu.vector_store %arg6[%swap3A_90, %swap3A_91], %exp3A {strides = array<i32>} : memref<1x1xf32, #tpu.memory_space<vmem>>, vector<1x1xf32>,
    } else {
    }
    return
  }
  func.func @transform_0(%arg0: i32) -> (i32, i32, i32) {
    %jit3A = arith.constant 4 : i32
    %div3A = arith.divsi %arg0, %jit3A : i32
    %sign3A = arith.constant 0 : i32
    %sign3A_0 = arith.cmpi sgt, %arg0, %sign3A : i32
    %sign3A_1 = arith.extui %sign3A_0 : i1 to i32
    %sign3A_2 = arith.constant 0 : i32
    %sign3A_3 = arith.cmpi slt, %arg0, %sign3A_2 : i32
    %sign3A_4 = arith.extui %sign3A_3 : i1 to i32
    %sign3A_5 = arith.subi %sign3A_1, %sign3A_4 : i32
    %sign3A_6 = arith.constant 0 : i32
    %sign3A_7 = arith.cmpi sgt, %jit3A, %sign3A_6 : i32
    %sign3A_8 = arith.extui %sign3A_7 : i1 to i32
    %sign3A_9 = arith.constant 0 : i32
    %sign3A_10 = arith.cmpi slt, %jit3A, %sign3A_9 : i32
    %sign3A_11 = arith.extui %sign3A_10 : i1 to i32
    %sign3A_12 = arith.subi %sign3A_8, %sign3A_11 : i32
    %ne3A = arith.cmpi ne, %sign3A_5, %sign3A_12 : i32
    %rem3A = arith.remsi %arg0, %jit3A : i32
    %ne3A_13 = arith.constant 0 : i32
    %ne3A_14 = arith.cmpi ne, %rem3A, %ne3A_13 : i32
    %and3A = arith.andi %ne3A, %ne3A_14 : i1
    %sub3A = arith.constant 1 : i32
    %sub3A_15 = arith.subi %div3A, %sub3A : i32
    %select_n3A = arith.select %and3A, %sub3A_15, %div3A : i32
    %jit3A_16 = arith.constant 4 : i32
    %eq3A = arith.constant 0 : i32
    %eq3A_17 = arith.cmpi eq, %jit3A_16, %eq3A : i32
    %jit3A_18 = arith.constant 1 : i32
    %select_n3A_19 = arith.select %eq3A_17, %jit3A_18, %jit3A_16 : i32
    %rem3A_20 = arith.remsi %arg0, %select_n3A_19 : i32
    %ne3A_21 = arith.constant 0 : i32
    %ne3A_22 = arith.cmpi ne, %rem3A_20, %ne3A_21 : i32
    %lt3A = arith.constant 0 : i32
    %lt3A_23 = arith.cmpi slt, %rem3A_20, %lt3A : i32
    %lt3A_24 = arith.constant 0 : i32
    %lt3A_25 = arith.cmpi slt, %select_n3A_19, %lt3A_24 : i32
    %ne3A_26 = arith.xori %lt3A_23, %lt3A_25 : i1
    %and3A_27 = arith.andi %ne3A_26, %ne3A_22 : i1
    %add3A = arith.addi %rem3A_20, %select_n3A_19 : i32
    %select_n3A_28 = arith.select %and3A_27, %add3A, %rem3A_20 : i32
    %c0_i32 = arith.constant 0 : i32
    %c0_i32_29 = arith.constant 0 : i32
    return %select_n3A, %c0_i32, %select_n3A_28 : i32, i32, i32
  }
  func.func @transform_1(%arg0: i32) -> (i32, i32) {
    %c0_i32 = arith.constant 0 : i32
    %c0_i32_0 = arith.constant 0 : i32
    %c0_i32_1 = arith.constant 0 : i32
    return %c0_i32, %c0_i32_0 : i32, i32
  }
  func.func @transform_2(%arg0: i32) -> (i32, i32) {
    %c0_i32 = arith.constant 0 : i32
    %c0_i32_0 = arith.constant 0 : i32
    return %arg0, %c0_i32 : i32, i32
  }
  func.func @transform_3(%arg0: i32) -> (i32, i32) {
    %c0_i32 = arith.constant 0 : i32
    %c0_i32_0 = arith.constant 0 : i32
    return %arg0, %c0_i32 : i32, i32
  }
  func.func @transform_4(%arg0: i32) -> (i32, i32) {
    %c0_i32 = arith.constant 0 : i32
    %c0_i32_0 = arith.constant 0 : i32
    %c0_i32_1 = arith.constant 0 : i32
    return %c0_i32, %c0_i32_0 : i32, i32
  }
  func.func @transform_5(%arg0: i32) -> (i32, i32) {
    %c0_i32 = arith.constant 0 : i32
    %c0_i32_0 = arith.constant 0 : i32
    %c0_i32_1 = arith.constant 0 : i32
    return %c0_i32, %c0_i32_0 : i32, i32
  }
}

module attributes {stable_mosaic.version = 14 : i64} {
  func.func @_transpose_kernel(%arg0: i32, %arg1: i32, %arg2: memref<512x256xf32, #tpu.memory_space<vmem>>, %arg3: memref<1x256x512xf32, #tpu.memory_space<vmem>>) attributes {dimension_semantics = [#tpu.dimension_semantics<arbitrary>, #tpu.dimension_semantics<arbitrary>], iteration_bounds = array<i64: 16, 4>, scalar_prefetch = 0 : i64, scratch_operands = 0 : i64, tpu.core_type = #tpu.core_type<tc>, window_params = [{transform_indices = @transform_0, window_bounds = array<i64: 512, 256>}, {transform_indices = @transform_1, window_bounds = array<i64: 1, 256, 512>}]} {
    %get3A = arith.constant 0 : index
    %get3A_0 = arith.constant 0 : index
    %get3A_1 = vector.load %arg2[%get3A, %get3A_0] : memref<512x256xf32, #tpu.memory_space<vmem>>, vector<512x256xf32>
    %transpose3A = tpu.transpose %get3A_1, [1, 0] : vector<512x256xf32> -> vector<256x512xf32>
    %swap3A = arith.constant 0 : index
    %swap3A_2 = arith.constant 0 : index
    %swap3A_3 = arith.constant 0 : index
    %swap3A_4 = vector.load %arg3[%swap3A, %swap3A_2, %swap3A_3] : memref<1x256x512xf32, #tpu.memory_space<vmem>>, vector<1x256x512xf32>
    %swap3A_5 = vector.shape_cast %swap3A_4 : vector<1x256x512xf32> to vector<256x512xf32>
    %swap3A_6 = vector.shape_cast %transpose3A : vector<256x512xf32> to vector<1x256x512xf32>
    tpu.vector_store %arg3[%swap3A, %swap3A_2, %swap3A_3], %swap3A_6 {strides = array<i32>} : memref<1x256x512xf32, #tpu.memory_space<vmem>>, vector<1x256x512xf32>,
    return
  }
  func.func @transform_0(%arg0: i32, %arg1: i32) -> (i32, i32) {
    %mul3A = arith.constant 4 : i32
    %mul3A_0 = arith.muli %arg0, %mul3A : i32
    %add3A = arith.addi %mul3A_0, %arg1 : i32
    %c0_i32 = arith.constant 0 : i32
    %c0_i32_1 = arith.constant 0 : i32
    return %add3A, %c0_i32 : i32, i32
  }
  func.func @transform_1(%arg0: i32, %arg1: i32) -> (i32, i32, i32) {
    %c0_i32 = arith.constant 0 : i32
    %c0_i32_0 = arith.constant 0 : i32
    return %arg0, %c0_i32, %arg1 : i32, i32, i32
  }
}

</mosaic_0001>

<sc_bundles>
// kernel: kernel.5.cloned.1.call-start
scs
__scs_entry_jumppad:
0x0: {  	(pc) =	sbr.rel $0x88, $3  }
0x1: {  	(tag) =	ssettag $0x0;
	lr =	simm.s32 $0x1  }
0x2: {  	[smem:$0x3F9F] =	sst lr;
	_ =	strace $0xD0000000  }
0x3: {  	_ = 	snop  }
0x4: {  	_ = 	snop  }
0x5: {  	_ = 	snop  }
0x6: {  	_ = 	snop  }
0x7: {  	_ = 	snop  }
__scs_overlays_trampoline_lowered:
0x8: {  	[smem:$0x3FAE] =	sst s0  }
0x9: {  	[smem:$0x3FAF] =	sst s1  }
0xa: {  	[smem:$0x3FB0] =	sst s2  }
0xb: {  	[smem:$0x3FB1] =	sst s3  }
0xc: {  	[smem:$0x3FB2] =	sst s4  }
0xd: {  	[smem:$0x3FB3] =	sst s5  }
0xe: {  	[smem:$0x3FB4] =	sst s6  }
0xf: {  	[smem:$0x3FB5] =	sst s7  }
0x10: {  	[smem:$0x3FB6] =	sst s8  }
0x11: {  	[smem:$0x3FB7] =	sst s9;
	s0 =	simm.s32 @!p0 $0x0  }
0x12: {  	s1 =	sld [smem:$0x3F9D];
	s0 =	simm.s32 @p0 $0x1  }
0x13: {  	[smem:$0x3FB8] =	sst s0;
	s0 =	simm.s32 @!p1 $0x0  }
0x14: {  	s2 =	sld [smem:$0x3F9C];
	s0 =	simm.s32 @p1 $0x1  }
0x15: {  	[smem:$0x3FB9] =	sst s0;
	s0 =	simm.s32 @!p2 $0x0  }
0x16: {  	s3 =	sld [smem:$0x3FDB];
	s0 =	simm.s32 @p2 $0x1  }
0x17: {  	s4 =	simm.s32 $0x1BF5;
	[smem:$0x3FBB] =	sst s0  }
0x18: {  	s0 =	sld [smem:$0x3F9E];
	_ =	swait.ge [sflag:s4], $0x0  }
0x19: {  	s7 =	sld [smem:$0x3F9F]  }
0x1a: {  	s8 =	sadd.s32 $0xFFFFE003, lr  }
0x1b: {  	s9 =	sadd.s32 $0xFFFFFEF7, lr;
	s5 =	simm.s32 $0xFFFFFFFF;
	p2 =	slt.u32 s8, $0xFFFFF086  }
0x1c: {  	p1 =	slt.u32 s9, $0xF7A;
	s5 =	simm.s32 @!p2 $0x0  }
0x1d: {  	s5 =	simm.s32 @p1 $0x1;
	p0 =	seq.s32 s7, s2  }
0x1e: {  	s7 =	smul.u32 @!p0 $0xF7A, s2;
	p2 =	seq.s32 @!p0 s5, $0x0  }
0x1f: {  	s9 =	smul.u32 $0xF7A, s1;
	s8 =	simm.s32 @!p0 $0x1BF5;
	p2 =	por !p2, p0  }
0x20: {  	[sflag:s8] =	ssyncset.s32 @!p0 $0xFFFFF086;
	s6 =	sadd.s32 @!p0 s3, s7;
	s7 =	simm.s32 @!p0 $0x108  }
0x21: {  	s3 =	sadd.s32 s3, s9;
	s6 =	sadd.s32 @!p0 $0x88, s6;
	s7 =	simm.s32 @p2 $0x1082  }
0x22: {  	[simem:s7], [sflag:s8] =	dma.local @!p0 [hbm:s6], $0xF7A  }
0x23: {  	s9 =	sor.u32 $0xD0000000, s2;
	s6 =	simm.s32 $0x108;
	_ =	swait.ge @!p0 [sflag:s8], $0x0  }
0x24: {  	s3 =	sadd.s32 $0x88, s3;
	s6 =	simm.s32 @!p1 $0x1082;
	[sflag:s4] =	ssyncset.s32 $0xFFFFF086  }
0x25: {  	[simem:s6], [sflag:s4] =	dma.local [hbm:s3], $0xF7A  }
0x26: {  	[smem:$0x3F9F] =	sst s1;
	(tag) =	ssettag s2;
	_ =	strace s9  }
0x27: {  	s1 =	sld [smem:$0x3FAF]  }
0x28: {  	s2 =	sld [smem:$0x3FB0]  }
0x29: {  	s4 =	sld [smem:$0x3FB2]  }
0x2a: {  	p0 =	seq.s32 s5, $0x0;
	s5 =	sld [smem:$0x3FB3]  }
0x2b: {  	s6 =	sld [smem:$0x3FB4]  }
0x2c: {  	s7 =	sld [smem:$0x3FB5]  }
0x2d: {  	s3 =	simm.s32 $0x108;
	s8 =	sld [smem:$0x3FB6]  }
0x2e: {  	s3 =	simm.s32 @!p0 $0x1082;
	s9 =	sld [smem:$0x3FB7]  }
0x2f: {  	lr =	sadd.s32 s0, s3;
	s0 =	sld [smem:$0x3FAE]  }
0x30: {  	s3 =	sld [smem:$0x3FB1]  }
0x31: {  	[smem:$0x3FBA] =	sst s10  }
0x32: {  	s10 =	sld [smem:$0x3FB8];
	_ =	sdelay $0x3  }
0x33: {  	p0 =	seq.s32 s10, $0x1;
	s10 =	sld [smem:$0x3FBA];
	_ =	sdelay $0x3  }
0x34: {  	[smem:$0x3FBA] =	sst s10  }
0x35: {  	s10 =	sld [smem:$0x3FB9];
	_ =	sdelay $0x3  }
0x36: {  	p1 =	seq.s32 s10, $0x1;
	s10 =	sld [smem:$0x3FBA];
	_ =	sdelay $0x3  }
0x37: {  	[smem:$0x3FBA] =	sst s10  }
0x38: {  	s10 =	sld [smem:$0x3FBB]  }
0x39: {  	_ = 	snop;
	(pc) =	sbr.ind lr, $3  }
0x3a: {  	_ = 	snop  }
0x3b: {  	_ = 	snop  }
0x3c: {  	p2 =	seq.s32 s10, $0x1;
	s10 =	sld [smem:$0x3FBA]  }
0x3d: {  	_ =	shalt  }
0x3e: {  	_ =	shalt  }
0x3f: {  	_ =	shalt  }
0x40: {  	_ =	shalt  }
0x41: {  	_ =	shalt  }
0x42: {  	_ =	shalt  }
0x43: {  	_ =	shalt  }
0x44: {  	_ =	shalt  }
0x45: {  	_ =	shalt  }
0x46: {  	_ =	shalt  }
0x47: {  	_ =	shalt  }
0x48: {  	_ =	shalt  }
0x49: {  	_ =	shalt  }
0x4a: {  	_ =	shalt  }
0x4b: {  	_ =	shalt  }
0x4c: {  	_ =	shalt  }
0x4d: {  	_ =	shalt  }
0x4e: {  	_ =	shalt  }
0x4f: {  	_ =	shalt  }
0x50: {  	_ =	shalt  }
0x51: {  	_ =	shalt  }
0x52: {  	_ =	shalt  }
0x53: {  	_ =	shalt  }
0x54: {  	_ =	shalt  }
0x55: {  	_ =	shalt  }
0x56: {  	_ =	shalt  }
0x57: {  	_ =	shalt  }
0x58: {  	_ =	shalt  }
0x59: {  	_ =	shalt  }
0x5a: {  	_ =	shalt  }
0x5b: {  	_ =	shalt  }
0x5c: {  	_ =	shalt  }
0x5d: {  	_ =	shalt  }
0x5e: {  	_ =	shalt  }
0x5f: {  	_ =	shalt  }
0x60: {  	_ =	shalt  }
0x61: {  	_ =	shalt  }
0x62: {  	_ =	shalt  }
0x63: {  	_ =	shalt  }
0x64: {  	_ =	shalt  }
0x65: {  	_ =	shalt  }
0x66: {  	_ =	shalt  }
0x67: {  	_ =	shalt  }
0x68: {  	_ =	shalt  }
0x69: {  	_ =	shalt  }
0x6a: {  	_ =	shalt  }
0x6b: {  	_ =	shalt  }
0x6c: {  	_ =	shalt  }
0x6d: {  	_ =	shalt  }
0x6e: {  	_ =	shalt  }
0x6f: {  	_ =	shalt  }
0x70: {  	_ =	shalt  }
0x71: {  	_ =	shalt  }
0x72: {  	_ =	shalt  }
0x73: {  	_ =	shalt  }
0x74: {  	_ =	shalt  }
0x75: {  	_ =	shalt  }
0x76: {  	_ =	shalt  }
0x77: {  	_ =	shalt  }
0x78: {  	_ =	shalt  }
0x79: {  	_ =	shalt  }
0x7a: {  	_ =	shalt  }
0x7b: {  	_ =	shalt  }
0x7c: {  	_ =	shalt  }
0x7d: {  	_ =	shalt  }
0x7e: {  	_ =	shalt  }
0x7f: {  	_ =	shalt  }
0x80: {  	_ =	shalt  }
0x81: {  	_ =	shalt  }
0x82: {  	_ =	shalt  }
0x83: {  	_ =	shalt  }
0x84: {  	_ =	shalt  }
0x85: {  	_ =	shalt  }
0x86: {  	_ =	shalt  }
0x87: {  	_ =	shalt  }
.Lfunc_end0:
.L_simem_size_0:
called_computation_lowered:
.L_overlay_start_0:
0x88: {  	s2 =	sld [smem:$0x3FD9]  }
0x89: {  	s3 =	sld [smem:$0x3FFE];
	_ =	sdelay $0x1  }
0x8a: {  	s1 =	srdreg.scid  }
0x8b: {  	s0 =	sand.u32 $0x1, s1  }
0x8c: {  	s14 =	sshll.u32 s0, $0xA;
	s2 =	sadd.s32 s3, s2  }
0x8d: {  	s2 =	sadd.s32 s2, s14  }
0x8e: {  	[smem:$0x3FC6] =	sst s2  }
0x8f: {  	_ = 	snop  }
0x90: {  	s2 =	sld [smem:$0x3FD0];
	_ =	sdelay $0x2  }
0x91: {  	s4 =	simm.s32 $0xA;
	s5 =	simm.s32 $0x10;
	s15 =	sld [smem:$0x3FC8]  }
0x92: {  	[smem:s5], [sflag:s4] =	dma.local [hbm:s2], $0x1  }
0x93: {  	_ =	swait.eq [sflag:s4], $0x1  }
0x94: {  	[sflag:s4] =	ssyncset.done $0x0  }
0x95: {  	[sflag:s4] =	ssyncadd.s32 $0xFFFFFFFF  }
0x96: {  	s16 =	sld [smem:$0x11];
	(tm) =	ssettm $0x1  }
0x97: {  	s17 =	sld [smem:$0x3FFB];
	_ =	sdelay $0x3  }
0x98: {  	_ =	strace s17  }
0x99: {  	s4 =	sld [smem:$0x3FFC];
	_ =	sdelay $0x3  }
0x9a: {  	_ =	strace s4  }
0x9b: {  	s4 =	sld [smem:$0x3FFD];
	_ =	sdelay $0x3  }
0x9c: {  	_ =	strace s4  }
0x9d: {  	_ =	strace $0x8FFFFFFF  }
0x9e: {  	s18 =	sld [smem:$0x3FDB];
	_ =	sdelay $0x1  }
0x9f: {  	s19 =	simm.s32 $_scs_section_size  }
0xa0: {  	s6 =	simm.s32 $_size__tile_overlayer_lowered;
	s7 =	simm.s32 $_tile_overlayer_lowered  }
0xa1: {  	s22 =	simm.s32 $0x1BFF;
	s21 =	sshll.u32 s7, $0x1;
	s4 =	sadd.s32 s19, s18  }
0xa2: {  	s8 =	simm.s32 $0x0;
	s20 =	sshll.u32 s6, $0x1;
	s6 =	sadd.s32 s21, s4  }
0xa3: {  	[timem:s8], [sflag:s22] =	dma.local [hbm:s6], s20  }
0xa4: {  	_ =	swait.ge [sflag:s22], s20  }
0xa5: {  	s5 =	ssub.s32 $0x0, s20;
	[sflag:s22] =	ssyncset.done $0x0  }
0xa6: {  	[sflag:s22] =	ssyncadd.s32 s5;
	_ =	sdelay $0x1  }
0xa7: {  	s23 =	simm.s32 $0x1B8B  }
0xa8: {  	_ =	swait.ge [sflag:s23], $0x1  }
0xa9: {  	[sflag:s23] =	ssyncset.done $0x0  }
0xaa: {  	s25 =	simm.s32 $0x1B8E;
	s24 =	sld [smem:$0x3FFE];
	[sflag:s23] =	ssyncadd.s32 $0xFFFFFFFF  }
0xab: {  	s26 =	simm.s32 $execute0_lowered;
	[smem:$0x3FD2] =	sst s25  }
0xac: {  	s6 =	sshll.u32 s26, $0x1;
	_ =	strace $0x80000046;
	[dreg:$0x1] =	wrdreg $0xFFFFFFFF  }
0xad: {  	s28 =	simm.s32 $_size_execute0_lowered;
	s4 =	sadd.s32 s4, s6;
	[dreg:$0x0] =	wrdreg $0x0  }
0xae: {  	s6 =	sshll.u32 s28, $0x1;
	[dreg:$0x2] =	wrdreg s4  }
0xaf: {  	[dreg:$0x3] =	wrdreg s6  }
0xb0: {  	[dreg:$0x4] =	wrdreg $0xC0  }
0xb1: {  	_ =	task [dreg:s8], $0x5FFFF  }
0xb2: {  	[dreg:$0x1] =	wrdreg $0xFFFFFFFF  }
0xb3: {  	[dreg:$0x0] =	wrdreg $0x60  }
0xb4: {  	[dreg:$0x2] =	wrdreg s16  }
0xb5: {  	[dreg:$0x3] =	wrdreg s15  }
0xb6: {  	[dreg:$0x4] =	wrdreg s24  }
0xb7: {  	[dreg:$0x5] =	wrdreg $0x9  }
0xb8: {  	_ =	task.clear_ibuf [dreg:s8], $0x6FFFF;
	_ =	strace $0x90000046  }
0xb9: {  	s29 =	simm.s32 $0x9;
	_ =	strace $0x80000048  }
0xba: {  	_ =	swait.ge [sflag:s29], $0x1  }
0xbb: {  	[sflag:s29] =	ssyncadd.s32 $0xFFFFFFFF  }
0xbc: {  	_ =	strace $0x90000048  }
0xbd: {  	_ =	sfence  }
0xbe: {  	s30 =	sld [smem:$0x0];
	_ =	sdelay $0x2  }
0xbf: {  	s31 =	sshll.u32 s1, $0xD;
	s1 =	sshrl.u32 s1, $0x2  }
0xc0: {  	s3 =	sand.u32 $0x4000, s31;
	s1 =	sadd.s32 s1, s30  }
0xc1: {  	s0 =	sor.u32 s3, s0;
	s1 =	sshll.u32 s1, $0x11  }
0xc2: {  	s0 =	sor.u32 s1, s0  }
0xc3: {  	s0 =	sadd.s32 $0x8F2B, s0  }
0xc4: {  	[sflag:s0] =	ssyncadd.remote.s32 $0x1  }
0xc5: {  	_ =	sfence.sel $0xFFFF  }
0xc6: {  	[dreg:$0x0] =	wrdreg $0xFFFFFFFF;
	(pc) =	sbr.abs _section_cstart, $3  }
0xc7: {  	[dreg:$0x1] =	wrdreg $0xFFFFFFFF  }
0xc8: {  	_ =	task.clear_ibuf [dreg:s8], $0x2FFFF;
	_ =	strace $0x9FFFFFFF  }
0xc9: {  	(tm) =	ssettm $0x7FFFFFFF  }
tec
execute0_lowered:
.L_overlay_start_1:
0x0: {  	(tag) =	ssettag $0x1  }
0x1: {  	s1 =	rddreg [dreg:$0x0]  }
0x2: {  	s2 =	rddreg [dreg:$0x1]  }
0x3: {  	s4 =	rddreg [dreg:$0x2]  }
0x4: {  	s0 =	srdreg.scid;
	s5 =	stileid.u32  }
0x5: {  	s3 =	simm.s32 $0x0;
	s30 =	simm.s32 $0x3;
	s31 =	simm.s32 $0x5400  }
0x6: {  	s28 =	simm.s32 $0x17400;
	s29 =	simm.s32 $0x17C00;
	s0 =	sand.u32 $0x1, s0  }
0x7: {  	s5 =	sshll.u32 s5, $0xB;
	[smem:$0x7FF] =	sst s3;
	s6 =	sshll.u32 s0, $0xA  }
0x8: {  	s4 =	sadd.s32 $0x200, s4;
	_ =	strace $0x80000047;
	s5 =	sor.u32 s6, s5  }
0x9: {  	s0 =	ssub.s32 $0x2, s0;
	s6 =	sshrl.u32 s5, $0x3;
	s7 =	sor.u32 $0x80, s5  }
0xa: {  	s26 =	sor.u32 $0x100, s5;
	s9 =	sor.u32 $0x180, s5;
	s11 =	sor.u32 $0x200, s5  }
0xb: {  	s19 =	sor.u32 $0x280, s5;
	s12 =	sor.u32 $0x300, s5;
	s14 =	sor.u32 $0x380, s5  }
0xc: {  	s5 =	sshll.u32 s5, $0x5;
	s6 =	sadd.s32 s1, s6;
	s8 =	sshrl.u32 s7, $0x3  }
0xd: {  	s15 =	sshrl.u32 s26, $0x3;
	s10 =	sshrl.u32 s9, $0x3;
	s17 =	sshrl.u32 s11, $0x3  }
0xe: {  	s20 =	sshrl.u32 s19, $0x3;
	s23 =	sadd.s32 s4, s5;
	[dreg:$0x4] =	wrdreg s6  }
0xf: {  	s13 =	sshrl.u32 s12, $0x3;
	s25 =	sadd.s32 s1, s8;
	[dreg:$0xc] =	wrdreg s23  }
0x10: {  	s22 =	sshrl.u32 s14, $0x3;
	s6 =	sadd.s32 s1, s15;
	[dreg:$0x5] =	wrdreg s25  }
0x11: {  	s24 =	sshll.u32 s7, $0x5;
	s16 =	sadd.s32 s1, s10;
	[dreg:$0x6] =	wrdreg s6  }
0x12: {  	s26 =	sshll.u32 s26, $0x5;
	s18 =	sadd.s32 s1, s17;
	[dreg:$0x7] =	wrdreg s16  }
0x13: {  	s21 =	sadd.s32 s1, s13;
	s5 =	sadd.s32 s4, s26;
	[dreg:$0x8] =	wrdreg s18  }
0x14: {  	s8 =	sshll.u32 s11, $0x5;
	s11 =	sshll.u32 s19, $0x5;
	[dreg:$0xa] =	wrdreg s21  }
0x15: {  	s15 =	sshll.u32 s12, $0x5;
	s19 =	simm.s32 $0x80;
	[dreg:$0xe] =	wrdreg s5  }
0x16: {  	s17 =	sshll.u32 s14, $0x5;
	s23 =	simm.s32 $0x280;
	[dreg:$0x14] =	wrdreg s19  }
0x17: {  	s26 =	simm.s32 $0x380;
	s14 =	simm.s32 $0x4;
	[dreg:$0x18] =	wrdreg s23  }
0x18: {  	s10 =	simm.s32 $0x10C00;
	s6 =	sadd.s32 s1, s20;
	[dreg:$0x1a] =	wrdreg s26  }
0x19: {  	s12 =	simm.s32 $0x11C00;
	s1 =	sadd.s32 s1, s22;
	[dreg:$0x9] =	wrdreg s6  }
0x1a: {  	s25 =	sadd.s32 s4, s24;
	s13 =	sadd.s32 s4, s11;
	[dreg:$0xb] =	wrdreg s1  }
0x1b: {  	s16 =	sadd.s32 s4, s15;
	s18 =	sadd.s32 s4, s17;
	[dreg:$0xd] =	wrdreg s25  }
0x1c: {  	s20 =	simm.s32 $0x100;
	s21 =	simm.s32 $0x180;
	[dreg:$0x11] =	wrdreg s13  }
0x1d: {  	s22 =	simm.s32 $0x200;
	s24 =	sshrl.u32 s0, $0x1;
	[dreg:$0x12] =	wrdreg s16  }
0x1e: {  	s5 =	simm.s32 $0x7;
	s15 =	simm.s32 $0x2;
	[dreg:$0x13] =	wrdreg s18  }
0x1f: {  	s11 =	simm.s32 $0x11400;
	s17 =	simm.s32 $0x12C00;
	[dreg:$0x15] =	wrdreg s20  }
0x20: {  	s23 =	simm.s32 $0x15400;
	s26 =	simm.s32 $0x16C00;
	[dreg:$0x16] =	wrdreg s21  }
0x21: {  	s6 =	sshll.u32 s9, $0x5;
	s9 =	sadd.s32 s4, s8;
	[dreg:$0x17] =	wrdreg s22  }
0x22: {  	s25 =	simm.s32 $0x300;
	s0 =	ssub.s32 s0, s24;
	s13 =	simm.s32 $0x1  }
0x23: {  	s16 =	simm.s32 $0x5;
	s18 =	simm.s32 $0x6;
	s22 =	simm.s32 $0x400  }
0x24: {  	s8 =	simm.s32 $0x13C00;
	s21 =	simm.s32 $0x14C00;
	[dreg:$0x10] =	wrdreg s9  }
0x25: {  	v2 =	vlaneseq.u32;
	s24 =	simm.s32 $0x15C00;
	s7 =	sadd.s32 s4, s6;
	[dreg:$0x19] =	wrdreg s25  }
0x26: {  	vm0 =	vmmov $0xffff;
	v1 =	vshrl.u32 v2, $0x3;
	s4 =	smax.u32 s0, $0x1;
	s6 =	simm.s32 $0x10400;
	s9 =	simm.s32 $0x14400  }
0x27: {  	v0 =	vand.u32 $0x7, v2;
	v2 =	vor.u32 $0x8, v2;
	v1 =	vmul.u32 $0x8, v1;
	s25 =	simm.s32 $0x16400;
	[dreg:$0xf] =	wrdreg s7;
	s7 =	simm.s32 $0x13400  }
.LBB2_1:
0x28: {  	s19 =	rddreg [dreg:$0x4]  }
0x29: {  	[tilespmem:s3], [sflag:$0x7] =	stream.linear.gather [hbm4b:s19+s3], $0x80, $0x38;
	[tilespmem:$0x18400] =	vst v63  }
0x2a: {  	_ =	swait.ge [sflag:s5], $0x80  }
0x2b: {  	s1 =	rddreg [dreg:$0x5];
	[sflag:s5] =	ssyncset.done $0x0  }
0x2c: {  	s20 =	rddreg [dreg:$0x14];
	[sflag:s5] =	ssyncadd.s32 $0xFFFFFF80  }
0x2d: {  	[tilespmem:s20], [sflag:$0x7] =	stream.linear.gather [hbm4b:s1+s3], $0x80, $0x38;
	[tilespmem:$0x18400] =	vst v63  }
0x2e: {  	_ =	swait.ge [sflag:s5], $0x80  }
0x2f: {  	s0 =	rddreg [dreg:$0x6];
	[sflag:s5] =	ssyncset.done $0x0  }
0x30: {  	s1 =	rddreg [dreg:$0x15];
	[sflag:s5] =	ssyncadd.s32 $0xFFFFFF80  }
0x31: {  	[tilespmem:s1], [sflag:$0x7] =	stream.linear.gather [hbm4b:s0+s3], $0x80, $0x38;
	[tilespmem:$0x18400] =	vst v63  }
0x32: {  	_ =	swait.ge [sflag:s5], $0x80  }
0x33: {  	s0 =	rddreg [dreg:$0x7];
	[sflag:s5] =	ssyncset.done $0x0  }
0x34: {  	s1 =	rddreg [dreg:$0x16];
	[sflag:s5] =	ssyncadd.s32 $0xFFFFFF80  }
0x35: {  	[tilespmem:s1], [sflag:$0x7] =	stream.linear.gather [hbm4b:s0+s3], $0x80, $0x38;
	[tilespmem:$0x18400] =	vst v63  }
0x36: {  	_ =	swait.ge [sflag:s5], $0x80  }
0x37: {  	s0 =	rddreg [dreg:$0x8];
	[sflag:s5] =	ssyncset.done $0x0  }
0x38: {  	s1 =	rddreg [dreg:$0x17];
	[sflag:s5] =	ssyncadd.s32 $0xFFFFFF80  }
0x39: {  	[tilespmem:s1], [sflag:$0x7] =	stream.linear.gather [hbm4b:s0+s3], $0x80, $0x38;
	[tilespmem:$0x18400] =	vst v63  }
0x3a: {  	_ =	swait.ge [sflag:s5], $0x80  }
0x3b: {  	s0 =	rddreg [dreg:$0x9];
	[sflag:s5] =	ssyncset.done $0x0  }
0x3c: {  	s1 =	rddreg [dreg:$0x18];
	[sflag:s5] =	ssyncadd.s32 $0xFFFFFF80  }
0x3d: {  	[tilespmem:s1], [sflag:$0x7] =	stream.linear.gather [hbm4b:s0+s3], $0x80, $0x38;
	[tilespmem:$0x18400] =	vst v63  }
0x3e: {  	_ =	swait.ge [sflag:s5], $0x80  }
0x3f: {  	s0 =	rddreg [dreg:$0xa];
	[sflag:s5] =	ssyncset.done $0x0  }
0x40: {  	s1 =	rddreg [dreg:$0x19];
	[sflag:s5] =	ssyncadd.s32 $0xFFFFFF80  }
0x41: {  	[tilespmem:s1], [sflag:$0x7] =	stream.linear.gather [hbm4b:s0+s3], $0x80, $0x38;
	[tilespmem:$0x18400] =	vst v63  }
0x42: {  	_ =	swait.ge [sflag:s5], $0x80  }
0x43: {  	s0 =	rddreg [dreg:$0xb];
	[sflag:s5] =	ssyncset.done $0x0  }
0x44: {  	s1 =	rddreg [dreg:$0x1a];
	[sflag:s5] =	ssyncadd.s32 $0xFFFFFF80  }
0x45: {  	[tilespmem:s1], [sflag:$0x7] =	stream.linear.gather [hbm4b:s0+s3], $0x80, $0x38;
	[tilespmem:$0x18400] =	vst v63  }
0x46: {  	_ =	swait.ge [sflag:s5], $0x80  }
0x47: {  	[sflag:s5] =	ssyncset.done $0x0  }
0x48: {  	[sflag:s5] =	ssyncadd.s32 $0xFFFFFF80  }
0x49: {  	v3 =	vld [tilespmem:$0x0];
	_ =	sdelay $0x4  }
0x4a: {  	v4 =	vshll.u32 v3, $0x1  }
0x4b: {  	v3 =	vand.u32 $0x7, v3;
	v4 =	vand.u32 $0xFFFFFFF0, v4  }
0x4c: {  	v3 =	vor.u32 v3, v4  }
0x4d: {  	v4 =	vperm.xlane v3, v0;
	_ =	sdelay $0x1  }
0x4e: {  	v3 =	vperm.xlane v3, v2;
	v4 =	vadd.s32 v1, v4;
	_ =	sdelay $0x1  }
0x4f: {  	v3 =	vadd.s32 v1, v3;
	_ =	sdelay $0x2  }
0x50: {  	[tilespmem:s22], [sflag:$0x1] =	stream.indirect_vreg.gather [hbm4b:s2+s3], $0x80, v4, vm0, $0xb8;
	[tilespmem:$0x18400] =	vst v63  }
0x51: {  	s20 =	simm.s32 $0xC00  }
0x52: {  	[tilespmem:s20], [sflag:$0x1] =	stream.indirect_vreg.gather [hbm4b:s2+s3], $0x80, v3, vm0, $0xb8;
	[tilespmem:$0x18400] =	vst v63  }
0x53: {  	v3 =	vld [tilespmem:$0x10];
	_ =	sdelay $0x4  }
0x54: {  	v57 =	vshll.u32 v3, $0x1  }
0x55: {  	v3 =	vand.u32 $0x7, v3;
	v4 =	vand.u32 $0xFFFFFFF0, v57  }
0x56: {  	v3 =	vor.u32 v3, v4  }
0x57: {  	v4 =	vperm.xlane v3, v0;
	_ =	sdelay $0x1  }
0x58: {  	v3 =	vperm.xlane v3, v2;
	v4 =	vadd.s32 v1, v4;
	_ =	sdelay $0x1  }
0x59: {  	v3 =	vadd.s32 v1, v3;
	_ =	sdelay $0x1  }
0x5a: {  	s0 =	simm.s32 $0x1400  }
0x5b: {  	[tilespmem:s0], [sflag:$0x1] =	stream.indirect_vreg.gather [hbm4b:s2+s3], $0x80, v4, vm0, $0xb8;
	[tilespmem:$0x18400] =	vst v63  }
0x5c: {  	s19 =	simm.s32 $0x1C00  }
0x5d: {  	[tilespmem:s19], [sflag:$0x1] =	stream.indirect_vreg.gather [hbm4b:s2+s3], $0x80, v3, vm0, $0xb8;
	[tilespmem:$0x18400] =	vst v63  }
0x5e: {  	v3 =	vld [tilespmem:$0x20];
	_ =	sdelay $0x4  }
0x5f: {  	v58 =	vshll.u32 v3, $0x1  }
0x60: {  	v3 =	vand.u32 $0x7, v3;
	v4 =	vand.u32 $0xFFFFFFF0, v58  }
0x61: {  	v3 =	vor.u32 v3, v4  }
0x62: {  	v4 =	vperm.xlane v3, v0;
	_ =	sdelay $0x1  }
0x63: {  	v3 =	vperm.xlane v3, v2;
	v4 =	vadd.s32 v1, v4;
	_ =	sdelay $0x1  }
0x64: {  	v3 =	vadd.s32 v1, v3;
	_ =	sdelay $0x1  }
0x65: {  	s1 =	simm.s32 $0x2400  }
0x66: {  	[tilespmem:s1], [sflag:$0x1] =	stream.indirect_vreg.gather [hbm4b:s2+s3], $0x80, v4, vm0, $0xb8;
	[tilespmem:$0x18400] =	vst v63  }
0x67: {  	s19 =	simm.s32 $0x2C00  }
0x68: {  	[tilespmem:s19], [sflag:$0x1] =	stream.indirect_vreg.gather [hbm4b:s2+s3], $0x80, v3, vm0, $0xb8;
	[tilespmem:$0x18400] =	vst v63  }
0x69: {  	v3 =	vld [tilespmem:$0x30];
	_ =	sdelay $0x4  }
0x6a: {  	v59 =	vshll.u32 v3, $0x1  }
0x6b: {  	v3 =	vand.u32 $0x7, v3;
	v4 =	vand.u32 $0xFFFFFFF0, v59  }
0x6c: {  	v3 =	vor.u32 v3, v4  }
0x6d: {  	v4 =	vperm.xlane v3, v0;
	_ =	sdelay $0x1  }
0x6e: {  	v3 =	vperm.xlane v3, v2;
	v4 =	vadd.s32 v1, v4;
	_ =	sdelay $0x1  }
0x6f: {  	v3 =	vadd.s32 v1, v3;
	_ =	sdelay $0x1  }
0x70: {  	s1 =	simm.s32 $0x3400  }
0x71: {  	[tilespmem:s1], [sflag:$0x1] =	stream.indirect_vreg.gather [hbm4b:s2+s3], $0x80, v4, vm0, $0xb8;
	[tilespmem:$0x18400] =	vst v63  }
0x72: {  	s19 =	simm.s32 $0x3C00  }
0x73: {  	[tilespmem:s19], [sflag:$0x1] =	stream.indirect_vreg.gather [hbm4b:s2+s3], $0x80, v3, vm0, $0xb8;
	[tilespmem:$0x18400] =	vst v63  }
0x74: {  	v3 =	vld [tilespmem:$0x40];
	_ =	sdelay $0x4  }
0x75: {  	v60 =	vshll.u32 v3, $0x1  }
0x76: {  	v3 =	vand.u32 $0x7, v3;
	v4 =	vand.u32 $0xFFFFFFF0, v60  }
0x77: {  	v3 =	vor.u32 v3, v4  }
0x78: {  	v4 =	vperm.xlane v3, v0;
	_ =	sdelay $0x1  }
0x79: {  	v3 =	vperm.xlane v3, v2;
	v4 =	vadd.s32 v1, v4;
	_ =	sdelay $0x1  }
0x7a: {  	v3 =	vadd.s32 v1, v3;
	_ =	sdelay $0x1  }
0x7b: {  	s1 =	simm.s32 $0x4400  }
0x7c: {  	[tilespmem:s1], [sflag:$0x1] =	stream.indirect_vreg.gather [hbm4b:s2+s3], $0x80, v4, vm0, $0xb8;
	[tilespmem:$0x18400] =	vst v63  }
0x7d: {  	s19 =	simm.s32 $0x4C00  }
0x7e: {  	[tilespmem:s19], [sflag:$0x1] =	stream.indirect_vreg.gather [hbm4b:s2+s3], $0x80, v3, vm0, $0xb8;
	[tilespmem:$0x18400] =	vst v63  }
0x7f: {  	v3 =	vld [tilespmem:$0x50];
	_ =	sdelay $0x4  }
0x80: {  	v61 =	vshll.u32 v3, $0x1  }
0x81: {  	v3 =	vand.u32 $0x7, v3;
	v4 =	vand.u32 $0xFFFFFFF0, v61  }
0x82: {  	v3 =	vor.u32 v3, v4  }
0x83: {  	v4 =	vperm.xlane v3, v0;
	_ =	sdelay $0x1  }
0x84: {  	v3 =	vperm.xlane v3, v2;
	v4 =	vadd.s32 v1, v4;
	_ =	sdelay $0x1  }
0x85: {  	v3 =	vadd.s32 v1, v3;
	_ =	sdelay $0x2  }
0x86: {  	[tilespmem:s31], [sflag:$0x1] =	stream.indirect_vreg.gather [hbm4b:s2+s3], $0x80, v4, vm0, $0xb8;
	[tilespmem:$0x18400] =	vst v63  }
0x87: {  	s1 =	simm.s32 $0x5C00  }
0x88: {  	[tilespmem:s1], [sflag:$0x1] =	stream.indirect_vreg.gather [hbm4b:s2+s3], $0x80, v3, vm0, $0xb8;
	[tilespmem:$0x18400] =	vst v63  }
0x89: {  	v3 =	vld [tilespmem:$0x60];
	_ =	sdelay $0x4  }
0x8a: {  	v62 =	vshll.u32 v3, $0x1  }
0x8b: {  	v3 =	vand.u32 $0x7, v3;
	v4 =	vand.u32 $0xFFFFFFF0, v62  }
0x8c: {  	v3 =	vor.u32 v3, v4  }
0x8d: {  	v4 =	vperm.xlane v3, v0;
	_ =	sdelay $0x1  }
0x8e: {  	v3 =	vperm.xlane v3, v2;
	v4 =	vadd.s32 v1, v4;
	_ =	sdelay $0x1  }
0x8f: {  	v3 =	vadd.s32 v1, v3;
	_ =	sdelay $0x1  }
0x90: {  	s19 =	simm.s32 $0x6400  }
0x91: {  	[tilespmem:s19], [sflag:$0x1] =	stream.indirect_vreg.gather [hbm4b:s2+s3], $0x80, v4, vm0, $0xb8;
	[tilespmem:$0x18400] =	vst v63  }
0x92: {  	s1 =	simm.s32 $0x6C00  }
0x93: {  	[tilespmem:s1], [sflag:$0x1] =	stream.indirect_vreg.gather [hbm4b:s2+s3], $0x80, v3, vm0, $0xb8;
	[tilespmem:$0x18400] =	vst v63  }
0x94: {  	v3 =	vld [tilespmem:$0x70];
	_ =	sdelay $0x4  }
0x95: {  	v63 =	vshll.u32 v3, $0x1  }
0x96: {  	v3 =	vand.u32 $0x7, v3;
	v4 =	vand.u32 $0xFFFFFFF0, v63  }
0x97: {  	v3 =	vor.u32 v3, v4  }
0x98: {  	v4 =	vperm.xlane v3, v0;
	_ =	sdelay $0x1  }
0x99: {  	v3 =	vperm.xlane v3, v2;
	v4 =	vadd.s32 v1, v4;
	_ =	sdelay $0x1  }
0x9a: {  	v3 =	vadd.s32 v1, v3;
	_ =	sdelay $0x1  }
0x9b: {  	s19 =	simm.s32 $0x7400  }
0x9c: {  	[tilespmem:s19], [sflag:$0x1] =	stream.indirect_vreg.gather [hbm4b:s2+s3], $0x80, v4, vm0, $0xb8;
	[tilespmem:$0x18400] =	vst v63  }
0x9d: {  	s1 =	simm.s32 $0x7C00  }
0x9e: {  	[tilespmem:s1], [sflag:$0x1] =	stream.indirect_vreg.gather [hbm4b:s2+s3], $0x80, v3, vm0, $0xb8;
	[tilespmem:$0x18400] =	vst v63  }
0x9f: {  	v3 =	vld [tilespmem:$0x80];
	_ =	sdelay $0x4  }
0xa0: {  	v8 =	vshll.u32 v3, $0x1  }
0xa1: {  	v3 =	vand.u32 $0x7, v3;
	v4 =	vand.u32 $0xFFFFFFF0, v8  }
0xa2: {  	v3 =	vor.u32 v3, v4  }
0xa3: {  	v4 =	vperm.xlane v3, v0;
	_ =	sdelay $0x1  }
0xa4: {  	v3 =	vperm.xlane v3, v2;
	v4 =	vadd.s32 v1, v4;
	_ =	sdelay $0x1  }
0xa5: {  	v3 =	vadd.s32 v1, v3;
	_ =	sdelay $0x1  }
0xa6: {  	s0 =	simm.s32 $0x8400  }
0xa7: {  	[tilespmem:s0], [sflag:$0x2] =	stream.indirect_vreg.gather [hbm4b:s2+s3], $0x80, v4, vm0, $0xb8;
	[tilespmem:$0x18400] =	vst v63  }
0xa8: {  	s1 =	simm.s32 $0x8C00  }
0xa9: {  	[tilespmem:s1], [sflag:$0x2] =	stream.indirect_vreg.gather [hbm4b:s2+s3], $0x80, v3, vm0, $0xb8;
	[tilespmem:$0x18400] =	vst v63  }
0xaa: {  	v3 =	vld [tilespmem:$0x90];
	_ =	sdelay $0x4  }
0xab: {  	v9 =	vshll.u32 v3, $0x1  }
0xac: {  	v3 =	vand.u32 $0x7, v3;
	v4 =	vand.u32 $0xFFFFFFF0, v9  }
0xad: {  	v3 =	vor.u32 v3, v4  }
0xae: {  	v4 =	vperm.xlane v3, v0;
	_ =	sdelay $0x1  }
0xaf: {  	v3 =	vperm.xlane v3, v2;
	v4 =	vadd.s32 v1, v4;
	_ =	sdelay $0x1  }
0xb0: {  	v3 =	vadd.s32 v1, v3;
	_ =	sdelay $0x1  }
0xb1: {  	s19 =	simm.s32 $0x9400  }
0xb2: {  	[tilespmem:s19], [sflag:$0x2] =	stream.indirect_vreg.gather [hbm4b:s2+s3], $0x80, v4, vm0, $0xb8;
	[tilespmem:$0x18400] =	vst v63  }
0xb3: {  	s19 =	simm.s32 $0x9C00  }
0xb4: {  	[tilespmem:s19], [sflag:$0x2] =	stream.indirect_vreg.gather [hbm4b:s2+s3], $0x80, v3, vm0, $0xb8;
	[tilespmem:$0x18400] =	vst v63  }
0xb5: {  	v3 =	vld [tilespmem:$0xA0];
	_ =	sdelay $0x4  }
0xb6: {  	v10 =	vshll.u32 v3, $0x1  }
0xb7: {  	v3 =	vand.u32 $0x7, v3;
	v4 =	vand.u32 $0xFFFFFFF0, v10  }
0xb8: {  	v3 =	vor.u32 v3, v4  }
0xb9: {  	v4 =	vperm.xlane v3, v0;
	_ =	sdelay $0x1  }
0xba: {  	v3 =	vperm.xlane v3, v2;
	v4 =	vadd.s32 v1, v4;
	_ =	sdelay $0x1  }
0xbb: {  	v3 =	vadd.s32 v1, v3;
	_ =	sdelay $0x1  }
0xbc: {  	s19 =	simm.s32 $0xA400  }
0xbd: {  	[tilespmem:s19], [sflag:$0x2] =	stream.indirect_vreg.gather [hbm4b:s2+s3], $0x80, v4, vm0, $0xb8;
	[tilespmem:$0x18400] =	vst v63  }
0xbe: {  	s19 =	simm.s32 $0xAC00  }
0xbf: {  	[tilespmem:s19], [sflag:$0x2] =	stream.indirect_vreg.gather [hbm4b:s2+s3], $0x80, v3, vm0, $0xb8;
	[tilespmem:$0x18400] =	vst v63  }
0xc0: {  	v3 =	vld [tilespmem:$0xB0];
	_ =	sdelay $0x4  }
0xc1: {  	v11 =	vshll.u32 v3, $0x1  }
0xc2: {  	v3 =	vand.u32 $0x7, v3;
	v4 =	vand.u32 $0xFFFFFFF0, v11  }
0xc3: {  	v3 =	vor.u32 v3, v4  }
0xc4: {  	v4 =	vperm.xlane v3, v0;
	_ =	sdelay $0x1  }
0xc5: {  	v3 =	vperm.xlane v3, v2;
	v4 =	vadd.s32 v1, v4;
	_ =	sdelay $0x1  }
0xc6: {  	v3 =	vadd.s32 v1, v3;
	_ =	sdelay $0x1  }
0xc7: {  	s19 =	simm.s32 $0xB400  }
0xc8: {  	[tilespmem:s19], [sflag:$0x2] =	stream.indirect_vreg.gather [hbm4b:s2+s3], $0x80, v4, vm0, $0xb8;
	[tilespmem:$0x18400] =	vst v63  }
0xc9: {  	s19 =	simm.s32 $0xBC00  }
0xca: {  	[tilespmem:s19], [sflag:$0x2] =	stream.indirect_vreg.gather [hbm4b:s2+s3], $0x80, v3, vm0, $0xb8;
	[tilespmem:$0x18400] =	vst v63  }
0xcb: {  	v3 =	vld [tilespmem:$0xC0];
	_ =	sdelay $0x4  }
0xcc: {  	v12 =	vshll.u32 v3, $0x1  }
0xcd: {  	v3 =	vand.u32 $0x7, v3;
	v4 =	vand.u32 $0xFFFFFFF0, v12  }
0xce: {  	v3 =	vor.u32 v3, v4  }
0xcf: {  	v4 =	vperm.xlane v3, v0;
	_ =	sdelay $0x1  }
0xd0: {  	v3 =	vperm.xlane v3, v2;
	v4 =	vadd.s32 v1, v4;
	_ =	sdelay $0x1  }
0xd1: {  	v3 =	vadd.s32 v1, v3;
	_ =	sdelay $0x1  }
0xd2: {  	s19 =	simm.s32 $0xC400  }
0xd3: {  	[tilespmem:s19], [sflag:$0x2] =	stream.indirect_vreg.gather [hbm4b:s2+s3], $0x80, v4, vm0, $0xb8;
	[tilespmem:$0x18400] =	vst v63  }
0xd4: {  	s19 =	simm.s32 $0xCC00  }
0xd5: {  	[tilespmem:s19], [sflag:$0x2] =	stream.indirect_vreg.gather [hbm4b:s2+s3], $0x80, v3, vm0, $0xb8;
	[tilespmem:$0x18400] =	vst v63  }
0xd6: {  	v3 =	vld [tilespmem:$0xD0];
	_ =	sdelay $0x4  }
0xd7: {  	v13 =	vshll.u32 v3, $0x1  }
0xd8: {  	v3 =	vand.u32 $0x7, v3;
	v4 =	vand.u32 $0xFFFFFFF0, v13  }
0xd9: {  	v3 =	vor.u32 v3, v4  }
0xda: {  	v4 =	vperm.xlane v3, v0;
	_ =	sdelay $0x1  }
0xdb: {  	v3 =	vperm.xlane v3, v2;
	v4 =	vadd.s32 v1, v4;
	_ =	sdelay $0x1  }
0xdc: {  	v3 =	vadd.s32 v1, v3;
	_ =	sdelay $0x1  }
0xdd: {  	s19 =	simm.s32 $0xD400  }
0xde: {  	[tilespmem:s19], [sflag:$0x2] =	stream.indirect_vreg.gather [hbm4b:s2+s3], $0x80, v4, vm0, $0xb8;
	[tilespmem:$0x18400] =	vst v63  }
0xdf: {  	s19 =	simm.s32 $0xDC00  }
0xe0: {  	[tilespmem:s19], [sflag:$0x2] =	stream.indirect_vreg.gather [hbm4b:s2+s3], $0x80, v3, vm0, $0xb8;
	[tilespmem:$0x18400] =	vst v63  }
0xe1: {  	v3 =	vld [tilespmem:$0xE0];
	_ =	sdelay $0x4  }
0xe2: {  	v14 =	vshll.u32 v3, $0x1  }
0xe3: {  	v3 =	vand.u32 $0x7, v3;
	v4 =	vand.u32 $0xFFFFFFF0, v14  }
0xe4: {  	v3 =	vor.u32 v3, v4  }
0xe5: {  	v4 =	vperm.xlane v3, v0;
	_ =	sdelay $0x1  }
0xe6: {  	v3 =	vperm.xlane v3, v2;
	v4 =	vadd.s32 v1, v4;
	_ =	sdelay $0x1  }
0xe7: {  	v3 =	vadd.s32 v1, v3;
	_ =	sdelay $0x1  }
0xe8: {  	s19 =	simm.s32 $0xE400  }
0xe9: {  	[tilespmem:s19], [sflag:$0x2] =	stream.indirect_vreg.gather [hbm4b:s2+s3], $0x80, v4, vm0, $0xb8;
	[tilespmem:$0x18400] =	vst v63  }
0xea: {  	s19 =	simm.s32 $0xEC00  }
0xeb: {  	[tilespmem:s19], [sflag:$0x2] =	stream.indirect_vreg.gather [hbm4b:s2+s3], $0x80, v3, vm0, $0xb8;
	[tilespmem:$0x18400] =	vst v63  }
0xec: {  	v3 =	vld [tilespmem:$0xF0];
	_ =	sdelay $0x4  }
0xed: {  	v15 =	vshll.u32 v3, $0x1  }
0xee: {  	v3 =	vand.u32 $0x7, v3;
	v4 =	vand.u32 $0xFFFFFFF0, v15  }
0xef: {  	v3 =	vor.u32 v3, v4  }
0xf0: {  	v4 =	vperm.xlane v3, v0;
	_ =	sdelay $0x1  }
0xf1: {  	v3 =	vperm.xlane v3, v2;
	v4 =	vadd.s32 v1, v4;
	_ =	sdelay $0x1  }
0xf2: {  	v3 =	vadd.s32 v1, v3;
	_ =	sdelay $0x1  }
0xf3: {  	s19 =	simm.s32 $0xF400  }
0xf4: {  	[tilespmem:s19], [sflag:$0x2] =	stream.indirect_vreg.gather [hbm4b:s2+s3], $0x80, v4, vm0, $0xb8;
	[tilespmem:$0x18400] =	vst v63  }
0xf5: {  	s19 =	simm.s32 $0xFC00  }
0xf6: {  	[tilespmem:s19], [sflag:$0x2] =	stream.indirect_vreg.gather [hbm4b:s2+s3], $0x80, v3, vm0, $0xb8;
	[tilespmem:$0x18400] =	vst v63  }
0xf7: {  	v3 =	vld [tilespmem:$0x100];
	_ =	sdelay $0x4  }
0xf8: {  	v16 =	vshll.u32 v3, $0x1  }
0xf9: {  	v3 =	vand.u32 $0x7, v3;
	v4 =	vand.u32 $0xFFFFFFF0, v16  }
0xfa: {  	v3 =	vor.u32 v3, v4  }
0xfb: {  	v4 =	vperm.xlane v3, v0;
	_ =	sdelay $0x1  }
0xfc: {  	v3 =	vperm.xlane v3, v2;
	v4 =	vadd.s32 v1, v4;
	_ =	sdelay $0x1  }
0xfd: {  	v3 =	vadd.s32 v1, v3;
	_ =	sdelay $0x2  }
0xfe: {  	[tilespmem:s6], [sflag:$0x3] =	stream.indirect_vreg.gather [hbm4b:s2+s3], $0x80, v4, vm0, $0xb8;
	[tilespmem:$0x18400] =	vst v63  }
0xff: {  	_ = 	snop  }
0x100: {  	[tilespmem:s10], [sflag:$0x3] =	stream.indirect_vreg.gather [hbm4b:s2+s3], $0x80, v3, vm0, $0xb8;
	[tilespmem:$0x18400] =	vst v63  }
0x101: {  	v3 =	vld [tilespmem:$0x110];
	_ =	sdelay $0x4  }
0x102: {  	v17 =	vshll.u32 v3, $0x1  }
0x103: {  	v3 =	vand.u32 $0x7, v3;
	v4 =	vand.u32 $0xFFFFFFF0, v17  }
0x104: {  	v3 =	vor.u32 v3, v4  }
0x105: {  	v4 =	vperm.xlane v3, v0;
	_ =	sdelay $0x1  }
0x106: {  	v3 =	vperm.xlane v3, v2;
	v4 =	vadd.s32 v1, v4;
	_ =	sdelay $0x1  }
0x107: {  	v3 =	vadd.s32 v1, v3;
	_ =	sdelay $0x2  }
0x108: {  	[tilespmem:s11], [sflag:$0x3] =	stream.indirect_vreg.gather [hbm4b:s2+s3], $0x80, v4, vm0, $0xb8;
	[tilespmem:$0x18400] =	vst v63  }
0x109: {  	_ = 	snop  }
0x10a: {  	[tilespmem:s12], [sflag:$0x3] =	stream.indirect_vreg.gather [hbm4b:s2+s3], $0x80, v3, vm0, $0xb8;
	[tilespmem:$0x18400] =	vst v63  }
0x10b: {  	v3 =	vld [tilespmem:$0x120];
	_ =	sdelay $0x4  }
0x10c: {  	v18 =	vshll.u32 v3, $0x1  }
0x10d: {  	v3 =	vand.u32 $0x7, v3;
	v4 =	vand.u32 $0xFFFFFFF0, v18  }
0x10e: {  	v3 =	vor.u32 v3, v4  }
0x10f: {  	v4 =	vperm.xlane v3, v0;
	_ =	sdelay $0x1  }
0x110: {  	v3 =	vperm.xlane v3, v2;
	v4 =	vadd.s32 v1, v4;
	_ =	sdelay $0x1  }
0x111: {  	v3 =	vadd.s32 v1, v3;
	_ =	sdelay $0x1  }
0x112: {  	s1 =	simm.s32 $0x12400  }
0x113: {  	[tilespmem:s1], [sflag:$0x3] =	stream.indirect_vreg.gather [hbm4b:s2+s3], $0x80, v4, vm0, $0xb8;
	[tilespmem:$0x18400] =	vst v63  }
0x114: {  	_ = 	snop  }
0x115: {  	[tilespmem:s17], [sflag:$0x3] =	stream.indirect_vreg.gather [hbm4b:s2+s3], $0x80, v3, vm0, $0xb8;
	[tilespmem:$0x18400] =	vst v63  }
0x116: {  	v3 =	vld [tilespmem:$0x130];
	_ =	sdelay $0x4  }
0x117: {  	v19 =	vshll.u32 v3, $0x1  }
0x118: {  	v3 =	vand.u32 $0x7, v3;
	v4 =	vand.u32 $0xFFFFFFF0, v19  }
0x119: {  	v3 =	vor.u32 v3, v4  }
0x11a: {  	v4 =	vperm.xlane v3, v0;
	_ =	sdelay $0x1  }
0x11b: {  	v3 =	vperm.xlane v3, v2;
	v4 =	vadd.s32 v1, v4;
	_ =	sdelay $0x1  }
0x11c: {  	v3 =	vadd.s32 v1, v3;
	_ =	sdelay $0x2  }
0x11d: {  	[tilespmem:s7], [sflag:$0x3] =	stream.indirect_vreg.gather [hbm4b:s2+s3], $0x80, v4, vm0, $0xb8;
	[tilespmem:$0x18400] =	vst v63  }
0x11e: {  	_ = 	snop  }
0x11f: {  	[tilespmem:s8], [sflag:$0x3] =	stream.indirect_vreg.gather [hbm4b:s2+s3], $0x80, v3, vm0, $0xb8;
	[tilespmem:$0x18400] =	vst v63  }
0x120: {  	v3 =	vld [tilespmem:$0x140];
	_ =	sdelay $0x4  }
0x121: {  	v20 =	vshll.u32 v3, $0x1  }
0x122: {  	v3 =	vand.u32 $0x7, v3;
	v4 =	vand.u32 $0xFFFFFFF0, v20  }
0x123: {  	v3 =	vor.u32 v3, v4  }
0x124: {  	v4 =	vperm.xlane v3, v0;
	_ =	sdelay $0x1  }
0x125: {  	v3 =	vperm.xlane v3, v2;
	v4 =	vadd.s32 v1, v4;
	_ =	sdelay $0x1  }
0x126: {  	v3 =	vadd.s32 v1, v3;
	_ =	sdelay $0x2  }
0x127: {  	[tilespmem:s9], [sflag:$0x3] =	stream.indirect_vreg.gather [hbm4b:s2+s3], $0x80, v4, vm0, $0xb8;
	[tilespmem:$0x18400] =	vst v63  }
0x128: {  	_ = 	snop  }
0x129: {  	[tilespmem:s21], [sflag:$0x3] =	stream.indirect_vreg.gather [hbm4b:s2+s3], $0x80, v3, vm0, $0xb8;
	[tilespmem:$0x18400] =	vst v63  }
0x12a: {  	v3 =	vld [tilespmem:$0x150];
	_ =	sdelay $0x4  }
0x12b: {  	v21 =	vshll.u32 v3, $0x1  }
0x12c: {  	v3 =	vand.u32 $0x7, v3;
	v4 =	vand.u32 $0xFFFFFFF0, v21  }
0x12d: {  	v3 =	vor.u32 v3, v4  }
0x12e: {  	v4 =	vperm.xlane v3, v0;
	_ =	sdelay $0x1  }
0x12f: {  	v3 =	vperm.xlane v3, v2;
	v4 =	vadd.s32 v1, v4;
	_ =	sdelay $0x1  }
0x130: {  	v3 =	vadd.s32 v1, v3;
	_ =	sdelay $0x2  }
0x131: {  	[tilespmem:s23], [sflag:$0x3] =	stream.indirect_vreg.gather [hbm4b:s2+s3], $0x80, v4, vm0, $0xb8;
	[tilespmem:$0x18400] =	vst v63  }
0x132: {  	_ = 	snop  }
0x133: {  	[tilespmem:s24], [sflag:$0x3] =	stream.indirect_vreg.gather [hbm4b:s2+s3], $0x80, v3, vm0, $0xb8;
	[tilespmem:$0x18400] =	vst v63  }
0x134: {  	v3 =	vld [tilespmem:$0x160];
	_ =	sdelay $0x4  }
0x135: {  	v22 =	vshll.u32 v3, $0x1  }
0x136: {  	v3 =	vand.u32 $0x7, v3;
	v4 =	vand.u32 $0xFFFFFFF0, v22  }
0x137: {  	v3 =	vor.u32 v3, v4  }
0x138: {  	v4 =	vperm.xlane v3, v0;
	_ =	sdelay $0x1  }
0x139: {  	v3 =	vperm.xlane v3, v2;
	v4 =	vadd.s32 v1, v4;
	_ =	sdelay $0x1  }
0x13a: {  	v3 =	vadd.s32 v1, v3;
	_ =	sdelay $0x2  }
0x13b: {  	[tilespmem:s25], [sflag:$0x3] =	stream.indirect_vreg.gather [hbm4b:s2+s3], $0x80, v4, vm0, $0xb8;
	[tilespmem:$0x18400] =	vst v63  }
0x13c: {  	_ = 	snop  }
0x13d: {  	[tilespmem:s26], [sflag:$0x3] =	stream.indirect_vreg.gather [hbm4b:s2+s3], $0x80, v3, vm0, $0xb8;
	[tilespmem:$0x18400] =	vst v63  }
0x13e: {  	v3 =	vld [tilespmem:$0x170];
	_ =	sdelay $0x4  }
0x13f: {  	v23 =	vshll.u32 v3, $0x1  }
0x140: {  	v3 =	vand.u32 $0x7, v3;
	v4 =	vand.u32 $0xFFFFFFF0, v23  }
0x141: {  	v3 =	vor.u32 v3, v4  }
0x142: {  	v4 =	vperm.xlane v3, v0;
	_ =	sdelay $0x1  }
0x143: {  	v3 =	vperm.xlane v3, v2;
	v4 =	vadd.s32 v1, v4;
	_ =	sdelay $0x1  }
0x144: {  	v3 =	vadd.s32 v1, v3;
	_ =	sdelay $0x2  }
0x145: {  	[tilespmem:s28], [sflag:$0x3] =	stream.indirect_vreg.gather [hbm4b:s2+s3], $0x80, v4, vm0, $0xb8;
	[tilespmem:$0x18400] =	vst v63  }
0x146: {  	_ = 	snop  }
0x147: {  	[tilespmem:s29], [sflag:$0x3] =	stream.indirect_vreg.gather [hbm4b:s2+s3], $0x80, v3, vm0, $0xb8;
	[tilespmem:$0x18400] =	vst v63  }
0x148: {  	_ =	swait.ge [sflag:s13], $0x8000  }
0x149: {  	[sflag:s13] =	ssyncset.done $0x0  }
0x14a: {  	s19 =	rddreg [dreg:$0xc];
	[sflag:s13] =	ssyncadd.s32 $0xFFFF8000  }
0x14b: {  	[hbm4b:s19+s3] =	stream.linear.scatter [tilespmem:s22], [sflag:$0x4], $0x8000, $0x38;
	[tilespmem:$0x18400] =	vst v63  }
0x14c: {  	_ =	swait.ge [sflag:s14], $0x8000  }
0x14d: {  	[sflag:s14] =	ssyncset.done $0x0  }
0x14e: {  	[sflag:s14] =	ssyncadd.s32 $0xFFFF8000  }
0x14f: {  	v3 =	vld [tilespmem:$0x180];
	_ =	sdelay $0x4  }
0x150: {  	v24 =	vshll.u32 v3, $0x1  }
0x151: {  	v3 =	vand.u32 $0x7, v3;
	v4 =	vand.u32 $0xFFFFFFF0, v24  }
0x152: {  	v3 =	vor.u32 v3, v4  }
0x153: {  	v4 =	vperm.xlane v3, v0;
	_ =	sdelay $0x1  }
0x154: {  	v3 =	vperm.xlane v3, v2;
	v4 =	vadd.s32 v1, v4;
	_ =	sdelay $0x1  }
0x155: {  	v3 =	vadd.s32 v1, v3;
	_ =	sdelay $0x2  }
0x156: {  	[tilespmem:s22], [sflag:$0x1] =	stream.indirect_vreg.gather [hbm4b:s2+s3], $0x80, v4, vm0, $0xb8;
	[tilespmem:$0x18400] =	vst v63  }
0x157: {  	_ = 	snop  }
0x158: {  	[tilespmem:s20], [sflag:$0x1] =	stream.indirect_vreg.gather [hbm4b:s2+s3], $0x80, v3, vm0, $0xb8;
	[tilespmem:$0x18400] =	vst v63  }
0x159: {  	v3 =	vld [tilespmem:$0x190];
	_ =	sdelay $0x4  }
0x15a: {  	v25 =	vshll.u32 v3, $0x1  }
0x15b: {  	v3 =	vand.u32 $0x7, v3;
	v4 =	vand.u32 $0xFFFFFFF0, v25  }
0x15c: {  	v3 =	vor.u32 v3, v4  }
0x15d: {  	v4 =	vperm.xlane v3, v0;
	_ =	sdelay $0x1  }
0x15e: {  	v3 =	vperm.xlane v3, v2;
	v4 =	vadd.s32 v1, v4;
	_ =	sdelay $0x1  }
0x15f: {  	v3 =	vadd.s32 v1, v3;
	_ =	sdelay $0x1  }
0x160: {  	s19 =	simm.s32 $0x1400  }
0x161: {  	[tilespmem:s19], [sflag:$0x1] =	stream.indirect_vreg.gather [hbm4b:s2+s3], $0x80, v4, vm0, $0xb8;
	[tilespmem:$0x18400] =	vst v63  }
0x162: {  	s19 =	simm.s32 $0x1C00  }
0x163: {  	[tilespmem:s19], [sflag:$0x1] =	stream.indirect_vreg.gather [hbm4b:s2+s3], $0x80, v3, vm0, $0xb8;
	[tilespmem:$0x18400] =	vst v63  }
0x164: {  	v3 =	vld [tilespmem:$0x1A0];
	_ =	sdelay $0x4  }
0x165: {  	v26 =	vshll.u32 v3, $0x1  }
0x166: {  	v3 =	vand.u32 $0x7, v3;
	v4 =	vand.u32 $0xFFFFFFF0, v26  }
0x167: {  	v3 =	vor.u32 v3, v4  }
0x168: {  	v4 =	vperm.xlane v3, v0;
	_ =	sdelay $0x1  }
0x169: {  	v3 =	vperm.xlane v3, v2;
	v4 =	vadd.s32 v1, v4;
	_ =	sdelay $0x1  }
0x16a: {  	v3 =	vadd.s32 v1, v3;
	_ =	sdelay $0x1  }
0x16b: {  	s19 =	simm.s32 $0x2400  }
0x16c: {  	[tilespmem:s19], [sflag:$0x1] =	stream.indirect_vreg.gather [hbm4b:s2+s3], $0x80, v4, vm0, $0xb8;
	[tilespmem:$0x18400] =	vst v63  }
0x16d: {  	s19 =	simm.s32 $0x2C00  }
0x16e: {  	[tilespmem:s19], [sflag:$0x1] =	stream.indirect_vreg.gather [hbm4b:s2+s3], $0x80, v3, vm0, $0xb8;
	[tilespmem:$0x18400] =	vst v63  }
0x16f: {  	v3 =	vld [tilespmem:$0x1B0];
	_ =	sdelay $0x4  }
0x170: {  	v27 =	vshll.u32 v3, $0x1  }
0x171: {  	v3 =	vand.u32 $0x7, v3;
	v4 =	vand.u32 $0xFFFFFFF0, v27  }
0x172: {  	v3 =	vor.u32 v3, v4  }
0x173: {  	v4 =	vperm.xlane v3, v0;
	_ =	sdelay $0x1  }
0x174: {  	v3 =	vperm.xlane v3, v2;
	v4 =	vadd.s32 v1, v4;
	_ =	sdelay $0x1  }
0x175: {  	v3 =	vadd.s32 v1, v3;
	_ =	sdelay $0x1  }
0x176: {  	s19 =	simm.s32 $0x3400  }
0x177: {  	[tilespmem:s19], [sflag:$0x1] =	stream.indirect_vreg.gather [hbm4b:s2+s3], $0x80, v4, vm0, $0xb8;
	[tilespmem:$0x18400] =	vst v63  }
0x178: {  	s19 =	simm.s32 $0x3C00  }
0x179: {  	[tilespmem:s19], [sflag:$0x1] =	stream.indirect_vreg.gather [hbm4b:s2+s3], $0x80, v3, vm0, $0xb8;
	[tilespmem:$0x18400] =	vst v63  }
0x17a: {  	v3 =	vld [tilespmem:$0x1C0];
	_ =	sdelay $0x4  }
0x17b: {  	v28 =	vshll.u32 v3, $0x1  }
0x17c: {  	v3 =	vand.u32 $0x7, v3;
	v4 =	vand.u32 $0xFFFFFFF0, v28  }
0x17d: {  	v3 =	vor.u32 v3, v4  }
0x17e: {  	v4 =	vperm.xlane v3, v0;
	_ =	sdelay $0x1  }
0x17f: {  	v3 =	vperm.xlane v3, v2;
	v4 =	vadd.s32 v1, v4;
	_ =	sdelay $0x1  }
0x180: {  	v3 =	vadd.s32 v1, v3;
	_ =	sdelay $0x1  }
0x181: {  	s19 =	simm.s32 $0x4400  }
0x182: {  	[tilespmem:s19], [sflag:$0x1] =	stream.indirect_vreg.gather [hbm4b:s2+s3], $0x80, v4, vm0, $0xb8;
	[tilespmem:$0x18400] =	vst v63  }
0x183: {  	s19 =	simm.s32 $0x4C00  }
0x184: {  	[tilespmem:s19], [sflag:$0x1] =	stream.indirect_vreg.gather [hbm4b:s2+s3], $0x80, v3, vm0, $0xb8;
	[tilespmem:$0x18400] =	vst v63  }
0x185: {  	v3 =	vld [tilespmem:$0x1D0];
	_ =	sdelay $0x4  }
0x186: {  	v29 =	vshll.u32 v3, $0x1  }
0x187: {  	v3 =	vand.u32 $0x7, v3;
	v4 =	vand.u32 $0xFFFFFFF0, v29  }
0x188: {  	v3 =	vor.u32 v3, v4  }
0x189: {  	v4 =	vperm.xlane v3, v0;
	_ =	sdelay $0x1  }
0x18a: {  	v3 =	vperm.xlane v3, v2;
	v4 =	vadd.s32 v1, v4;
	_ =	sdelay $0x1  }
0x18b: {  	v3 =	vadd.s32 v1, v3;
	_ =	sdelay $0x2  }
0x18c: {  	[tilespmem:s31], [sflag:$0x1] =	stream.indirect_vreg.gather [hbm4b:s2+s3], $0x80, v4, vm0, $0xb8;
	[tilespmem:$0x18400] =	vst v63  }
0x18d: {  	s19 =	simm.s32 $0x5C00  }
0x18e: {  	[tilespmem:s19], [sflag:$0x1] =	stream.indirect_vreg.gather [hbm4b:s2+s3], $0x80, v3, vm0, $0xb8;
	[tilespmem:$0x18400] =	vst v63  }
0x18f: {  	v3 =	vld [tilespmem:$0x1E0];
	_ =	sdelay $0x4  }
0x190: {  	v30 =	vshll.u32 v3, $0x1  }
0x191: {  	v3 =	vand.u32 $0x7, v3;
	v4 =	vand.u32 $0xFFFFFFF0, v30  }
0x192: {  	v3 =	vor.u32 v3, v4  }
0x193: {  	v4 =	vperm.xlane v3, v0;
	_ =	sdelay $0x1  }
0x194: {  	v3 =	vperm.xlane v3, v2;
	v4 =	vadd.s32 v1, v4;
	_ =	sdelay $0x1  }
0x195: {  	v3 =	vadd.s32 v1, v3;
	_ =	sdelay $0x1  }
0x196: {  	s19 =	simm.s32 $0x6400  }
0x197: {  	[tilespmem:s19], [sflag:$0x1] =	stream.indirect_vreg.gather [hbm4b:s2+s3], $0x80, v4, vm0, $0xb8;
	[tilespmem:$0x18400] =	vst v63  }
0x198: {  	s19 =	simm.s32 $0x6C00  }
0x199: {  	[tilespmem:s19], [sflag:$0x1] =	stream.indirect_vreg.gather [hbm4b:s2+s3], $0x80, v3, vm0, $0xb8;
	[tilespmem:$0x18400] =	vst v63  }
0x19a: {  	v3 =	vld [tilespmem:$0x1F0];
	_ =	sdelay $0x4  }
0x19b: {  	v31 =	vshll.u32 v3, $0x1  }
0x19c: {  	v3 =	vand.u32 $0x7, v3;
	v4 =	vand.u32 $0xFFFFFFF0, v31  }
0x19d: {  	v3 =	vor.u32 v3, v4  }
0x19e: {  	v4 =	vperm.xlane v3, v0;
	_ =	sdelay $0x1  }
0x19f: {  	v3 =	vperm.xlane v3, v2;
	v4 =	vadd.s32 v1, v4;
	_ =	sdelay $0x1  }
0x1a0: {  	v3 =	vadd.s32 v1, v3;
	_ =	sdelay $0x1  }
0x1a1: {  	s19 =	simm.s32 $0x7400  }
0x1a2: {  	[tilespmem:s19], [sflag:$0x1] =	stream.indirect_vreg.gather [hbm4b:s2+s3], $0x80, v4, vm0, $0xb8;
	[tilespmem:$0x18400] =	vst v63  }
0x1a3: {  	s19 =	simm.s32 $0x7C00  }
0x1a4: {  	[tilespmem:s19], [sflag:$0x1] =	stream.indirect_vreg.gather [hbm4b:s2+s3], $0x80, v3, vm0, $0xb8;
	[tilespmem:$0x18400] =	vst v63  }
0x1a5: {  	_ =	swait.ge [sflag:s15], $0x8000  }
0x1a6: {  	[sflag:s15] =	ssyncset.done $0x0  }
0x1a7: {  	s19 =	rddreg [dreg:$0xd];
	[sflag:s15] =	ssyncadd.s32 $0xFFFF8000  }
0x1a8: {  	[hbm4b:s19+s3] =	stream.linear.scatter [tilespmem:s0], [sflag:$0x5], $0x8000, $0x38;
	[tilespmem:$0x18400] =	vst v63  }
0x1a9: {  	_ =	swait.ge [sflag:s16], $0x8000  }
0x1aa: {  	[sflag:s16] =	ssyncset.done $0x0  }
0x1ab: {  	[sflag:s16] =	ssyncadd.s32 $0xFFFF8000  }
0x1ac: {  	v3 =	vld [tilespmem:$0x200];
	_ =	sdelay $0x4  }
0x1ad: {  	v32 =	vshll.u32 v3, $0x1  }
0x1ae: {  	v3 =	vand.u32 $0x7, v3;
	v4 =	vand.u32 $0xFFFFFFF0, v32  }
0x1af: {  	v3 =	vor.u32 v3, v4  }
0x1b0: {  	v4 =	vperm.xlane v3, v0;
	_ =	sdelay $0x1  }
0x1b1: {  	v3 =	vperm.xlane v3, v2;
	v4 =	vadd.s32 v1, v4;
	_ =	sdelay $0x1  }
0x1b2: {  	v3 =	vadd.s32 v1, v3;
	_ =	sdelay $0x2  }
0x1b3: {  	[tilespmem:s0], [sflag:$0x2] =	stream.indirect_vreg.gather [hbm4b:s2+s3], $0x80, v4, vm0, $0xb8;
	[tilespmem:$0x18400] =	vst v63  }
0x1b4: {  	s19 =	simm.s32 $0x8C00  }
0x1b5: {  	[tilespmem:s19], [sflag:$0x2] =	stream.indirect_vreg.gather [hbm4b:s2+s3], $0x80, v3, vm0, $0xb8;
	[tilespmem:$0x18400] =	vst v63  }
0x1b6: {  	v3 =	vld [tilespmem:$0x210];
	_ =	sdelay $0x4  }
0x1b7: {  	v33 =	vshll.u32 v3, $0x1  }
0x1b8: {  	v3 =	vand.u32 $0x7, v3;
	v4 =	vand.u32 $0xFFFFFFF0, v33  }
0x1b9: {  	v3 =	vor.u32 v3, v4  }
0x1ba: {  	v4 =	vperm.xlane v3, v0;
	_ =	sdelay $0x1  }
0x1bb: {  	v3 =	vperm.xlane v3, v2;
	v4 =	vadd.s32 v1, v4;
	_ =	sdelay $0x1  }
0x1bc: {  	v3 =	vadd.s32 v1, v3;
	_ =	sdelay $0x1  }
0x1bd: {  	s19 =	simm.s32 $0x9400  }
0x1be: {  	[tilespmem:s19], [sflag:$0x2] =	stream.indirect_vreg.gather [hbm4b:s2+s3], $0x80, v4, vm0, $0xb8;
	[tilespmem:$0x18400] =	vst v63  }
0x1bf: {  	s19 =	simm.s32 $0x9C00  }
0x1c0: {  	[tilespmem:s19], [sflag:$0x2] =	stream.indirect_vreg.gather [hbm4b:s2+s3], $0x80, v3, vm0, $0xb8;
	[tilespmem:$0x18400] =	vst v63  }
0x1c1: {  	v3 =	vld [tilespmem:$0x220];
	_ =	sdelay $0x4  }
0x1c2: {  	v34 =	vshll.u32 v3, $0x1  }
0x1c3: {  	v3 =	vand.u32 $0x7, v3;
	v4 =	vand.u32 $0xFFFFFFF0, v34  }
0x1c4: {  	v3 =	vor.u32 v3, v4  }
0x1c5: {  	v4 =	vperm.xlane v3, v0;
	_ =	sdelay $0x1  }
0x1c6: {  	v3 =	vperm.xlane v3, v2;
	v4 =	vadd.s32 v1, v4;
	_ =	sdelay $0x1  }
0x1c7: {  	v3 =	vadd.s32 v1, v3;
	_ =	sdelay $0x1  }
0x1c8: {  	s19 =	simm.s32 $0xA400  }
0x1c9: {  	[tilespmem:s19], [sflag:$0x2] =	stream.indirect_vreg.gather [hbm4b:s2+s3], $0x80, v4, vm0, $0xb8;
	[tilespmem:$0x18400] =	vst v63  }
0x1ca: {  	s19 =	simm.s32 $0xAC00  }
0x1cb: {  	[tilespmem:s19], [sflag:$0x2] =	stream.indirect_vreg.gather [hbm4b:s2+s3], $0x80, v3, vm0, $0xb8;
	[tilespmem:$0x18400] =	vst v63  }
0x1cc: {  	v3 =	vld [tilespmem:$0x230];
	_ =	sdelay $0x4  }
0x1cd: {  	v35 =	vshll.u32 v3, $0x1  }
0x1ce: {  	v3 =	vand.u32 $0x7, v3;
	v4 =	vand.u32 $0xFFFFFFF0, v35  }
0x1cf: {  	v3 =	vor.u32 v3, v4  }
0x1d0: {  	v4 =	vperm.xlane v3, v0;
	_ =	sdelay $0x1  }
0x1d1: {  	v3 =	vperm.xlane v3, v2;
	v4 =	vadd.s32 v1, v4;
	_ =	sdelay $0x1  }
0x1d2: {  	v3 =	vadd.s32 v1, v3;
	_ =	sdelay $0x1  }
0x1d3: {  	s19 =	simm.s32 $0xB400  }
0x1d4: {  	[tilespmem:s19], [sflag:$0x2] =	stream.indirect_vreg.gather [hbm4b:s2+s3], $0x80, v4, vm0, $0xb8;
	[tilespmem:$0x18400] =	vst v63  }
0x1d5: {  	s19 =	simm.s32 $0xBC00  }
0x1d6: {  	[tilespmem:s19], [sflag:$0x2] =	stream.indirect_vreg.gather [hbm4b:s2+s3], $0x80, v3, vm0, $0xb8;
	[tilespmem:$0x18400] =	vst v63  }
0x1d7: {  	v3 =	vld [tilespmem:$0x240];
	_ =	sdelay $0x4  }
0x1d8: {  	v36 =	vshll.u32 v3, $0x1  }
0x1d9: {  	v3 =	vand.u32 $0x7, v3;
	v4 =	vand.u32 $0xFFFFFFF0, v36  }
0x1da: {  	v3 =	vor.u32 v3, v4  }
0x1db: {  	v4 =	vperm.xlane v3, v0;
	_ =	sdelay $0x1  }
0x1dc: {  	v3 =	vperm.xlane v3, v2;
	v4 =	vadd.s32 v1, v4;
	_ =	sdelay $0x1  }
0x1dd: {  	v3 =	vadd.s32 v1, v3;
	_ =	sdelay $0x1  }
0x1de: {  	s19 =	simm.s32 $0xC400  }
0x1df: {  	[tilespmem:s19], [sflag:$0x2] =	stream.indirect_vreg.gather [hbm4b:s2+s3], $0x80, v4, vm0, $0xb8;
	[tilespmem:$0x18400] =	vst v63  }
0x1e0: {  	s19 =	simm.s32 $0xCC00  }
0x1e1: {  	[tilespmem:s19], [sflag:$0x2] =	stream.indirect_vreg.gather [hbm4b:s2+s3], $0x80, v3, vm0, $0xb8;
	[tilespmem:$0x18400] =	vst v63  }
0x1e2: {  	v3 =	vld [tilespmem:$0x250];
	_ =	sdelay $0x4  }
0x1e3: {  	v37 =	vshll.u32 v3, $0x1  }
0x1e4: {  	v3 =	vand.u32 $0x7, v3;
	v4 =	vand.u32 $0xFFFFFFF0, v37  }
0x1e5: {  	v3 =	vor.u32 v3, v4  }
0x1e6: {  	v4 =	vperm.xlane v3, v0;
	_ =	sdelay $0x1  }
0x1e7: {  	v3 =	vperm.xlane v3, v2;
	v4 =	vadd.s32 v1, v4;
	_ =	sdelay $0x1  }
0x1e8: {  	v3 =	vadd.s32 v1, v3;
	_ =	sdelay $0x1  }
0x1e9: {  	s19 =	simm.s32 $0xD400  }
0x1ea: {  	[tilespmem:s19], [sflag:$0x2] =	stream.indirect_vreg.gather [hbm4b:s2+s3], $0x80, v4, vm0, $0xb8;
	[tilespmem:$0x18400] =	vst v63  }
0x1eb: {  	s19 =	simm.s32 $0xDC00  }
0x1ec: {  	[tilespmem:s19], [sflag:$0x2] =	stream.indirect_vreg.gather [hbm4b:s2+s3], $0x80, v3, vm0, $0xb8;
	[tilespmem:$0x18400] =	vst v63  }
0x1ed: {  	v3 =	vld [tilespmem:$0x260];
	_ =	sdelay $0x4  }
0x1ee: {  	v38 =	vshll.u32 v3, $0x1  }
0x1ef: {  	v3 =	vand.u32 $0x7, v3;
	v4 =	vand.u32 $0xFFFFFFF0, v38  }
0x1f0: {  	v3 =	vor.u32 v3, v4  }
0x1f1: {  	v4 =	vperm.xlane v3, v0;
	_ =	sdelay $0x1  }
0x1f2: {  	v3 =	vperm.xlane v3, v2;
	v4 =	vadd.s32 v1, v4;
	_ =	sdelay $0x1  }
0x1f3: {  	v3 =	vadd.s32 v1, v3;
	_ =	sdelay $0x1  }
0x1f4: {  	s19 =	simm.s32 $0xE400  }
0x1f5: {  	[tilespmem:s19], [sflag:$0x2] =	stream.indirect_vreg.gather [hbm4b:s2+s3], $0x80, v4, vm0, $0xb8;
	[tilespmem:$0x18400] =	vst v63  }
0x1f6: {  	s19 =	simm.s32 $0xEC00  }
0x1f7: {  	[tilespmem:s19], [sflag:$0x2] =	stream.indirect_vreg.gather [hbm4b:s2+s3], $0x80, v3, vm0, $0xb8;
	[tilespmem:$0x18400] =	vst v63  }
0x1f8: {  	v3 =	vld [tilespmem:$0x270];
	_ =	sdelay $0x4  }
0x1f9: {  	v39 =	vshll.u32 v3, $0x1  }
0x1fa: {  	v3 =	vand.u32 $0x7, v3;
	v4 =	vand.u32 $0xFFFFFFF0, v39  }
0x1fb: {  	v3 =	vor.u32 v3, v4  }
0x1fc: {  	v4 =	vperm.xlane v3, v0;
	_ =	sdelay $0x1  }
0x1fd: {  	v3 =	vperm.xlane v3, v2;
	v4 =	vadd.s32 v1, v4;
	_ =	sdelay $0x1  }
0x1fe: {  	v3 =	vadd.s32 v1, v3;
	_ =	sdelay $0x1  }
0x1ff: {  	s19 =	simm.s32 $0xF400  }
0x200: {  	[tilespmem:s19], [sflag:$0x2] =	stream.indirect_vreg.gather [hbm4b:s2+s3], $0x80, v4, vm0, $0xb8;
	[tilespmem:$0x18400] =	vst v63  }
0x201: {  	s19 =	simm.s32 $0xFC00  }
0x202: {  	[tilespmem:s19], [sflag:$0x2] =	stream.indirect_vreg.gather [hbm4b:s2+s3], $0x80, v3, vm0, $0xb8;
	[tilespmem:$0x18400] =	vst v63  }
0x203: {  	_ =	swait.ge [sflag:s30], $0x8000  }
0x204: {  	[sflag:s30] =	ssyncset.done $0x0  }
0x205: {  	s19 =	rddreg [dreg:$0xe];
	[sflag:s30] =	ssyncadd.s32 $0xFFFF8000  }
0x206: {  	[hbm4b:s19+s3] =	stream.linear.scatter [tilespmem:s6], [sflag:$0x6], $0x8000, $0x38;
	[tilespmem:$0x18400] =	vst v63  }
0x207: {  	_ =	swait.ge [sflag:s18], $0x8000  }
0x208: {  	[sflag:s18] =	ssyncset.done $0x0  }
0x209: {  	[sflag:s18] =	ssyncadd.s32 $0xFFFF8000  }
0x20a: {  	v3 =	vld [tilespmem:$0x280];
	_ =	sdelay $0x4  }
0x20b: {  	v40 =	vshll.u32 v3, $0x1  }
0x20c: {  	v3 =	vand.u32 $0x7, v3;
	v4 =	vand.u32 $0xFFFFFFF0, v40  }
0x20d: {  	v3 =	vor.u32 v3, v4  }
0x20e: {  	v4 =	vperm.xlane v3, v0;
	_ =	sdelay $0x1  }
0x20f: {  	v3 =	vperm.xlane v3, v2;
	v4 =	vadd.s32 v1, v4;
	_ =	sdelay $0x1  }
0x210: {  	v3 =	vadd.s32 v1, v3;
	_ =	sdelay $0x2  }
0x211: {  	[tilespmem:s6], [sflag:$0x3] =	stream.indirect_vreg.gather [hbm4b:s2+s3], $0x80, v4, vm0, $0xb8;
	[tilespmem:$0x18400] =	vst v63  }
0x212: {  	_ = 	snop  }
0x213: {  	[tilespmem:s10], [sflag:$0x3] =	stream.indirect_vreg.gather [hbm4b:s2+s3], $0x80, v3, vm0, $0xb8;
	[tilespmem:$0x18400] =	vst v63  }
0x214: {  	v3 =	vld [tilespmem:$0x290];
	_ =	sdelay $0x4  }
0x215: {  	v41 =	vshll.u32 v3, $0x1  }
0x216: {  	v3 =	vand.u32 $0x7, v3;
	v4 =	vand.u32 $0xFFFFFFF0, v41  }
0x217: {  	v3 =	vor.u32 v3, v4  }
0x218: {  	v4 =	vperm.xlane v3, v0;
	_ =	sdelay $0x1  }
0x219: {  	v3 =	vperm.xlane v3, v2;
	v4 =	vadd.s32 v1, v4;
	_ =	sdelay $0x1  }
0x21a: {  	v3 =	vadd.s32 v1, v3;
	_ =	sdelay $0x2  }
0x21b: {  	[tilespmem:s11], [sflag:$0x3] =	stream.indirect_vreg.gather [hbm4b:s2+s3], $0x80, v4, vm0, $0xb8;
	[tilespmem:$0x18400] =	vst v63  }
0x21c: {  	_ = 	snop  }
0x21d: {  	[tilespmem:s12], [sflag:$0x3] =	stream.indirect_vreg.gather [hbm4b:s2+s3], $0x80, v3, vm0, $0xb8;
	[tilespmem:$0x18400] =	vst v63  }
0x21e: {  	v3 =	vld [tilespmem:$0x2A0];
	_ =	sdelay $0x4  }
0x21f: {  	v42 =	vshll.u32 v3, $0x1  }
0x220: {  	v3 =	vand.u32 $0x7, v3;
	v4 =	vand.u32 $0xFFFFFFF0, v42  }
0x221: {  	v3 =	vor.u32 v3, v4  }
0x222: {  	v4 =	vperm.xlane v3, v0;
	_ =	sdelay $0x1  }
0x223: {  	v3 =	vperm.xlane v3, v2;
	v4 =	vadd.s32 v1, v4;
	_ =	sdelay $0x1  }
0x224: {  	v3 =	vadd.s32 v1, v3;
	_ =	sdelay $0x2  }
0x225: {  	[tilespmem:s1], [sflag:$0x3] =	stream.indirect_vreg.gather [hbm4b:s2+s3], $0x80, v4, vm0, $0xb8;
	[tilespmem:$0x18400] =	vst v63  }
0x226: {  	_ = 	snop  }
0x227: {  	[tilespmem:s17], [sflag:$0x3] =	stream.indirect_vreg.gather [hbm4b:s2+s3], $0x80, v3, vm0, $0xb8;
	[tilespmem:$0x18400] =	vst v63  }
0x228: {  	v3 =	vld [tilespmem:$0x2B0];
	_ =	sdelay $0x4  }
0x229: {  	v43 =	vshll.u32 v3, $0x1  }
0x22a: {  	v3 =	vand.u32 $0x7, v3;
	v4 =	vand.u32 $0xFFFFFFF0, v43  }
0x22b: {  	v3 =	vor.u32 v3, v4  }
0x22c: {  	v4 =	vperm.xlane v3, v0;
	_ =	sdelay $0x1  }
0x22d: {  	v3 =	vperm.xlane v3, v2;
	v4 =	vadd.s32 v1, v4;
	_ =	sdelay $0x1  }
0x22e: {  	v3 =	vadd.s32 v1, v3;
	_ =	sdelay $0x2  }
0x22f: {  	[tilespmem:s7], [sflag:$0x3] =	stream.indirect_vreg.gather [hbm4b:s2+s3], $0x80, v4, vm0, $0xb8;
	[tilespmem:$0x18400] =	vst v63  }
0x230: {  	_ = 	snop  }
0x231: {  	[tilespmem:s8], [sflag:$0x3] =	stream.indirect_vreg.gather [hbm4b:s2+s3], $0x80, v3, vm0, $0xb8;
	[tilespmem:$0x18400] =	vst v63  }
0x232: {  	v3 =	vld [tilespmem:$0x2C0];
	_ =	sdelay $0x4  }
0x233: {  	v44 =	vshll.u32 v3, $0x1  }
0x234: {  	v3 =	vand.u32 $0x7, v3;
	v4 =	vand.u32 $0xFFFFFFF0, v44  }
0x235: {  	v3 =	vor.u32 v3, v4  }
0x236: {  	v4 =	vperm.xlane v3, v0;
	_ =	sdelay $0x1  }
0x237: {  	v3 =	vperm.xlane v3, v2;
	v4 =	vadd.s32 v1, v4;
	_ =	sdelay $0x1  }
0x238: {  	v3 =	vadd.s32 v1, v3;
	_ =	sdelay $0x2  }
0x239: {  	[tilespmem:s9], [sflag:$0x3] =	stream.indirect_vreg.gather [hbm4b:s2+s3], $0x80, v4, vm0, $0xb8;
	[tilespmem:$0x18400] =	vst v63  }
0x23a: {  	_ = 	snop  }
0x23b: {  	[tilespmem:s21], [sflag:$0x3] =	stream.indirect_vreg.gather [hbm4b:s2+s3], $0x80, v3, vm0, $0xb8;
	[tilespmem:$0x18400] =	vst v63  }
0x23c: {  	v3 =	vld [tilespmem:$0x2D0];
	_ =	sdelay $0x4  }
0x23d: {  	v45 =	vshll.u32 v3, $0x1  }
0x23e: {  	v3 =	vand.u32 $0x7, v3;
	v4 =	vand.u32 $0xFFFFFFF0, v45  }
0x23f: {  	v3 =	vor.u32 v3, v4  }
0x240: {  	v4 =	vperm.xlane v3, v0;
	_ =	sdelay $0x1  }
0x241: {  	v3 =	vperm.xlane v3, v2;
	v4 =	vadd.s32 v1, v4;
	_ =	sdelay $0x1  }
0x242: {  	v3 =	vadd.s32 v1, v3;
	_ =	sdelay $0x2  }
0x243: {  	[tilespmem:s23], [sflag:$0x3] =	stream.indirect_vreg.gather [hbm4b:s2+s3], $0x80, v4, vm0, $0xb8;
	[tilespmem:$0x18400] =	vst v63  }
0x244: {  	_ = 	snop  }
0x245: {  	[tilespmem:s24], [sflag:$0x3] =	stream.indirect_vreg.gather [hbm4b:s2+s3], $0x80, v3, vm0, $0xb8;
	[tilespmem:$0x18400] =	vst v63  }
0x246: {  	v3 =	vld [tilespmem:$0x2E0];
	_ =	sdelay $0x4  }
0x247: {  	v46 =	vshll.u32 v3, $0x1  }
0x248: {  	v3 =	vand.u32 $0x7, v3;
	v4 =	vand.u32 $0xFFFFFFF0, v46  }
0x249: {  	v3 =	vor.u32 v3, v4  }
0x24a: {  	v4 =	vperm.xlane v3, v0;
	_ =	sdelay $0x1  }
0x24b: {  	v3 =	vperm.xlane v3, v2;
	v4 =	vadd.s32 v1, v4;
	_ =	sdelay $0x1  }
0x24c: {  	v3 =	vadd.s32 v1, v3;
	_ =	sdelay $0x2  }
0x24d: {  	[tilespmem:s25], [sflag:$0x3] =	stream.indirect_vreg.gather [hbm4b:s2+s3], $0x80, v4, vm0, $0xb8;
	[tilespmem:$0x18400] =	vst v63  }
0x24e: {  	_ = 	snop  }
0x24f: {  	[tilespmem:s26], [sflag:$0x3] =	stream.indirect_vreg.gather [hbm4b:s2+s3], $0x80, v3, vm0, $0xb8;
	[tilespmem:$0x18400] =	vst v63  }
0x250: {  	v3 =	vld [tilespmem:$0x2F0];
	_ =	sdelay $0x4  }
0x251: {  	v47 =	vshll.u32 v3, $0x1  }
0x252: {  	v3 =	vand.u32 $0x7, v3;
	v4 =	vand.u32 $0xFFFFFFF0, v47  }
0x253: {  	v3 =	vor.u32 v3, v4  }
0x254: {  	v4 =	vperm.xlane v3, v0;
	_ =	sdelay $0x1  }
0x255: {  	v3 =	vperm.xlane v3, v2;
	v4 =	vadd.s32 v1, v4;
	_ =	sdelay $0x1  }
0x256: {  	v3 =	vadd.s32 v1, v3;
	_ =	sdelay $0x2  }
0x257: {  	[tilespmem:s28], [sflag:$0x3] =	stream.indirect_vreg.gather [hbm4b:s2+s3], $0x80, v4, vm0, $0xb8;
	[tilespmem:$0x18400] =	vst v63  }
0x258: {  	_ = 	snop  }
0x259: {  	[tilespmem:s29], [sflag:$0x3] =	stream.indirect_vreg.gather [hbm4b:s2+s3], $0x80, v3, vm0, $0xb8;
	[tilespmem:$0x18400] =	vst v63  }
0x25a: {  	_ =	swait.ge [sflag:s13], $0x8000  }
0x25b: {  	[sflag:s13] =	ssyncset.done $0x0  }
0x25c: {  	s1 =	rddreg [dreg:$0xf];
	[sflag:s13] =	ssyncadd.s32 $0xFFFF8000  }
0x25d: {  	[hbm4b:s1+s3] =	stream.linear.scatter [tilespmem:s22], [sflag:$0x4], $0x8000, $0x38;
	[tilespmem:$0x18400] =	vst v63  }
0x25e: {  	_ =	swait.ge [sflag:s14], $0x8000  }
0x25f: {  	[sflag:s14] =	ssyncset.done $0x0  }
0x260: {  	[sflag:s14] =	ssyncadd.s32 $0xFFFF8000  }
0x261: {  	v3 =	vld [tilespmem:$0x300];
	_ =	sdelay $0x4  }
0x262: {  	v48 =	vshll.u32 v3, $0x1  }
0x263: {  	v3 =	vand.u32 $0x7, v3;
	v4 =	vand.u32 $0xFFFFFFF0, v48  }
0x264: {  	v3 =	vor.u32 v3, v4  }
0x265: {  	v4 =	vperm.xlane v3, v0;
	_ =	sdelay $0x1  }
0x266: {  	v3 =	vperm.xlane v3, v2;
	v4 =	vadd.s32 v1, v4;
	_ =	sdelay $0x1  }
0x267: {  	v3 =	vadd.s32 v1, v3;
	_ =	sdelay $0x2  }
0x268: {  	[tilespmem:s22], [sflag:$0x1] =	stream.indirect_vreg.gather [hbm4b:s2+s3], $0x80, v4, vm0, $0xb8;
	[tilespmem:$0x18400] =	vst v63  }
0x269: {  	_ = 	snop  }
0x26a: {  	[tilespmem:s20], [sflag:$0x1] =	stream.indirect_vreg.gather [hbm4b:s2+s3], $0x80, v3, vm0, $0xb8;
	[tilespmem:$0x18400] =	vst v63  }
0x26b: {  	v3 =	vld [tilespmem:$0x310];
	_ =	sdelay $0x4  }
0x26c: {  	v49 =	vshll.u32 v3, $0x1  }
0x26d: {  	v3 =	vand.u32 $0x7, v3;
	v4 =	vand.u32 $0xFFFFFFF0, v49  }
0x26e: {  	v3 =	vor.u32 v3, v4  }
0x26f: {  	v4 =	vperm.xlane v3, v0;
	_ =	sdelay $0x1  }
0x270: {  	v3 =	vperm.xlane v3, v2;
	v4 =	vadd.s32 v1, v4;
	_ =	sdelay $0x1  }
0x271: {  	v3 =	vadd.s32 v1, v3;
	_ =	sdelay $0x1  }
0x272: {  	s20 =	simm.s32 $0x1400  }
0x273: {  	[tilespmem:s20], [sflag:$0x1] =	stream.indirect_vreg.gather [hbm4b:s2+s3], $0x80, v4, vm0, $0xb8;
	[tilespmem:$0x18400] =	vst v63  }
0x274: {  	s19 =	simm.s32 $0x1C00  }
0x275: {  	[tilespmem:s19], [sflag:$0x1] =	stream.indirect_vreg.gather [hbm4b:s2+s3], $0x80, v3, vm0, $0xb8;
	[tilespmem:$0x18400] =	vst v63  }
0x276: {  	v3 =	vld [tilespmem:$0x320];
	_ =	sdelay $0x4  }
0x277: {  	v50 =	vshll.u32 v3, $0x1  }
0x278: {  	v3 =	vand.u32 $0x7, v3;
	v4 =	vand.u32 $0xFFFFFFF0, v50  }
0x279: {  	v3 =	vor.u32 v3, v4  }
0x27a: {  	v4 =	vperm.xlane v3, v0;
	_ =	sdelay $0x1  }
0x27b: {  	v3 =	vperm.xlane v3, v2;
	v4 =	vadd.s32 v1, v4;
	_ =	sdelay $0x1  }
0x27c: {  	v3 =	vadd.s32 v1, v3;
	_ =	sdelay $0x1  }
0x27d: {  	s20 =	simm.s32 $0x2400  }
0x27e: {  	[tilespmem:s20], [sflag:$0x1] =	stream.indirect_vreg.gather [hbm4b:s2+s3], $0x80, v4, vm0, $0xb8;
	[tilespmem:$0x18400] =	vst v63  }
0x27f: {  	s19 =	simm.s32 $0x2C00  }
0x280: {  	[tilespmem:s19], [sflag:$0x1] =	stream.indirect_vreg.gather [hbm4b:s2+s3], $0x80, v3, vm0, $0xb8;
	[tilespmem:$0x18400] =	vst v63  }
0x281: {  	v3 =	vld [tilespmem:$0x330];
	_ =	sdelay $0x4  }
0x282: {  	v51 =	vshll.u32 v3, $0x1  }
0x283: {  	v3 =	vand.u32 $0x7, v3;
	v4 =	vand.u32 $0xFFFFFFF0, v51  }
0x284: {  	v3 =	vor.u32 v3, v4  }
0x285: {  	v4 =	vperm.xlane v3, v0;
	_ =	sdelay $0x1  }
0x286: {  	v3 =	vperm.xlane v3, v2;
	v4 =	vadd.s32 v1, v4;
	_ =	sdelay $0x1  }
0x287: {  	v3 =	vadd.s32 v1, v3;
	_ =	sdelay $0x1  }
0x288: {  	s20 =	simm.s32 $0x3400  }
0x289: {  	[tilespmem:s20], [sflag:$0x1] =	stream.indirect_vreg.gather [hbm4b:s2+s3], $0x80, v4, vm0, $0xb8;
	[tilespmem:$0x18400] =	vst v63  }
0x28a: {  	s19 =	simm.s32 $0x3C00  }
0x28b: {  	[tilespmem:s19], [sflag:$0x1] =	stream.indirect_vreg.gather [hbm4b:s2+s3], $0x80, v3, vm0, $0xb8;
	[tilespmem:$0x18400] =	vst v63  }
0x28c: {  	v3 =	vld [tilespmem:$0x340];
	_ =	sdelay $0x4  }
0x28d: {  	v52 =	vshll.u32 v3, $0x1  }
0x28e: {  	v3 =	vand.u32 $0x7, v3;
	v4 =	vand.u32 $0xFFFFFFF0, v52  }
0x28f: {  	v3 =	vor.u32 v3, v4  }
0x290: {  	v4 =	vperm.xlane v3, v0;
	_ =	sdelay $0x1  }
0x291: {  	v3 =	vperm.xlane v3, v2;
	v4 =	vadd.s32 v1, v4;
	_ =	sdelay $0x1  }
0x292: {  	v3 =	vadd.s32 v1, v3;
	_ =	sdelay $0x1  }
0x293: {  	s20 =	simm.s32 $0x4400  }
0x294: {  	[tilespmem:s20], [sflag:$0x1] =	stream.indirect_vreg.gather [hbm4b:s2+s3], $0x80, v4, vm0, $0xb8;
	[tilespmem:$0x18400] =	vst v63  }
0x295: {  	s19 =	simm.s32 $0x4C00  }
0x296: {  	[tilespmem:s19], [sflag:$0x1] =	stream.indirect_vreg.gather [hbm4b:s2+s3], $0x80, v3, vm0, $0xb8;
	[tilespmem:$0x18400] =	vst v63  }
0x297: {  	v3 =	vld [tilespmem:$0x350];
	_ =	sdelay $0x4  }
0x298: {  	v53 =	vshll.u32 v3, $0x1  }
0x299: {  	v3 =	vand.u32 $0x7, v3;
	v4 =	vand.u32 $0xFFFFFFF0, v53  }
0x29a: {  	v3 =	vor.u32 v3, v4  }
0x29b: {  	v4 =	vperm.xlane v3, v0;
	_ =	sdelay $0x1  }
0x29c: {  	v3 =	vperm.xlane v3, v2;
	v4 =	vadd.s32 v1, v4;
	_ =	sdelay $0x1  }
0x29d: {  	v3 =	vadd.s32 v1, v3;
	_ =	sdelay $0x2  }
0x29e: {  	[tilespmem:s31], [sflag:$0x1] =	stream.indirect_vreg.gather [hbm4b:s2+s3], $0x80, v4, vm0, $0xb8;
	[tilespmem:$0x18400] =	vst v63  }
0x29f: {  	s20 =	simm.s32 $0x5C00  }
0x2a0: {  	[tilespmem:s20], [sflag:$0x1] =	stream.indirect_vreg.gather [hbm4b:s2+s3], $0x80, v3, vm0, $0xb8;
	[tilespmem:$0x18400] =	vst v63  }
0x2a1: {  	v3 =	vld [tilespmem:$0x360];
	_ =	sdelay $0x4  }
0x2a2: {  	v54 =	vshll.u32 v3, $0x1  }
0x2a3: {  	v3 =	vand.u32 $0x7, v3;
	v4 =	vand.u32 $0xFFFFFFF0, v54  }
0x2a4: {  	v3 =	vor.u32 v3, v4  }
0x2a5: {  	v4 =	vperm.xlane v3, v0;
	_ =	sdelay $0x1  }
0x2a6: {  	v3 =	vperm.xlane v3, v2;
	v4 =	vadd.s32 v1, v4;
	_ =	sdelay $0x1  }
0x2a7: {  	v3 =	vadd.s32 v1, v3;
	_ =	sdelay $0x1  }
0x2a8: {  	s19 =	simm.s32 $0x6400  }
0x2a9: {  	[tilespmem:s19], [sflag:$0x1] =	stream.indirect_vreg.gather [hbm4b:s2+s3], $0x80, v4, vm0, $0xb8;
	[tilespmem:$0x18400] =	vst v63  }
0x2aa: {  	s20 =	simm.s32 $0x6C00  }
0x2ab: {  	[tilespmem:s20], [sflag:$0x1] =	stream.indirect_vreg.gather [hbm4b:s2+s3], $0x80, v3, vm0, $0xb8;
	[tilespmem:$0x18400] =	vst v63  }
0x2ac: {  	v3 =	vld [tilespmem:$0x370];
	_ =	sdelay $0x4  }
0x2ad: {  	v55 =	vshll.u32 v3, $0x1  }
0x2ae: {  	v3 =	vand.u32 $0x7, v3;
	v4 =	vand.u32 $0xFFFFFFF0, v55  }
0x2af: {  	v3 =	vor.u32 v3, v4  }
0x2b0: {  	v4 =	vperm.xlane v3, v0;
	_ =	sdelay $0x1  }
0x2b1: {  	v3 =	vperm.xlane v3, v2;
	v4 =	vadd.s32 v1, v4;
	_ =	sdelay $0x1  }
0x2b2: {  	v3 =	vadd.s32 v1, v3;
	_ =	sdelay $0x1  }
0x2b3: {  	s19 =	simm.s32 $0x7400  }
0x2b4: {  	[tilespmem:s19], [sflag:$0x1] =	stream.indirect_vreg.gather [hbm4b:s2+s3], $0x80, v4, vm0, $0xb8;
	[tilespmem:$0x18400] =	vst v63  }
0x2b5: {  	s20 =	simm.s32 $0x7C00  }
0x2b6: {  	[tilespmem:s20], [sflag:$0x1] =	stream.indirect_vreg.gather [hbm4b:s2+s3], $0x80, v3, vm0, $0xb8;
	[tilespmem:$0x18400] =	vst v63  }
0x2b7: {  	_ =	swait.ge [sflag:s15], $0x8000  }
0x2b8: {  	[sflag:s15] =	ssyncset.done $0x0  }
0x2b9: {  	s1 =	rddreg [dreg:$0x10];
	[sflag:s15] =	ssyncadd.s32 $0xFFFF8000  }
0x2ba: {  	[hbm4b:s1+s3] =	stream.linear.scatter [tilespmem:s0], [sflag:$0x5], $0x8000, $0x38;
	[tilespmem:$0x18400] =	vst v63  }
0x2bb: {  	_ =	swait.ge [sflag:s16], $0x8000  }
0x2bc: {  	[sflag:s16] =	ssyncset.done $0x0  }
0x2bd: {  	[sflag:s16] =	ssyncadd.s32 $0xFFFF8000  }
0x2be: {  	v3 =	vld [tilespmem:$0x380];
	_ =	sdelay $0x4  }
0x2bf: {  	v56 =	vshll.u32 v3, $0x1  }
0x2c0: {  	v3 =	vand.u32 $0x7, v3;
	v4 =	vand.u32 $0xFFFFFFF0, v56  }
0x2c1: {  	v3 =	vor.u32 v3, v4  }
0x2c2: {  	v4 =	vperm.xlane v3, v0;
	_ =	sdelay $0x1  }
0x2c3: {  	v3 =	vperm.xlane v3, v2;
	v4 =	vadd.s32 v1, v4;
	_ =	sdelay $0x1  }
0x2c4: {  	v3 =	vadd.s32 v1, v3;
	_ =	sdelay $0x2  }
0x2c5: {  	[tilespmem:s0], [sflag:$0x2] =	stream.indirect_vreg.gather [hbm4b:s2+s3], $0x80, v4, vm0, $0xb8;
	[tilespmem:$0x18400] =	vst v63  }
0x2c6: {  	s19 =	simm.s32 $0x8C00  }
0x2c7: {  	[tilespmem:s19], [sflag:$0x2] =	stream.indirect_vreg.gather [hbm4b:s2+s3], $0x80, v3, vm0, $0xb8;
	[tilespmem:$0x18400] =	vst v63  }
0x2c8: {  	v3 =	vld [tilespmem:$0x390];
	_ =	sdelay $0x4  }
0x2c9: {  	v57 =	vshll.u32 v3, $0x1  }
0x2ca: {  	v3 =	vand.u32 $0x7, v3;
	v4 =	vand.u32 $0xFFFFFFF0, v57  }
0x2cb: {  	v3 =	vor.u32 v3, v4  }
0x2cc: {  	v4 =	vperm.xlane v3, v0;
	_ =	sdelay $0x1  }
0x2cd: {  	v3 =	vperm.xlane v3, v2;
	v4 =	vadd.s32 v1, v4;
	_ =	sdelay $0x1  }
0x2ce: {  	v3 =	vadd.s32 v1, v3;
	_ =	sdelay $0x1  }
0x2cf: {  	s20 =	simm.s32 $0x9400  }
0x2d0: {  	[tilespmem:s20], [sflag:$0x2] =	stream.indirect_vreg.gather [hbm4b:s2+s3], $0x80, v4, vm0, $0xb8;
	[tilespmem:$0x18400] =	vst v63  }
0x2d1: {  	s19 =	simm.s32 $0x9C00  }
0x2d2: {  	[tilespmem:s19], [sflag:$0x2] =	stream.indirect_vreg.gather [hbm4b:s2+s3], $0x80, v3, vm0, $0xb8;
	[tilespmem:$0x18400] =	vst v63  }
0x2d3: {  	v3 =	vld [tilespmem:$0x3A0];
	_ =	sdelay $0x4  }
0x2d4: {  	v58 =	vshll.u32 v3, $0x1  }
0x2d5: {  	v3 =	vand.u32 $0x7, v3;
	v4 =	vand.u32 $0xFFFFFFF0, v58  }
0x2d6: {  	v3 =	vor.u32 v3, v4  }
0x2d7: {  	v4 =	vperm.xlane v3, v0;
	_ =	sdelay $0x1  }
0x2d8: {  	v3 =	vperm.xlane v3, v2;
	v4 =	vadd.s32 v1, v4;
	_ =	sdelay $0x1  }
0x2d9: {  	v3 =	vadd.s32 v1, v3;
	_ =	sdelay $0x1  }
0x2da: {  	s20 =	simm.s32 $0xA400  }
0x2db: {  	[tilespmem:s20], [sflag:$0x2] =	stream.indirect_vreg.gather [hbm4b:s2+s3], $0x80, v4, vm0, $0xb8;
	[tilespmem:$0x18400] =	vst v63  }
0x2dc: {  	s19 =	simm.s32 $0xAC00  }
0x2dd: {  	[tilespmem:s19], [sflag:$0x2] =	stream.indirect_vreg.gather [hbm4b:s2+s3], $0x80, v3, vm0, $0xb8;
	[tilespmem:$0x18400] =	vst v63  }
0x2de: {  	v3 =	vld [tilespmem:$0x3B0];
	_ =	sdelay $0x4  }
0x2df: {  	v59 =	vshll.u32 v3, $0x1  }
0x2e0: {  	v3 =	vand.u32 $0x7, v3;
	v4 =	vand.u32 $0xFFFFFFF0, v59  }
0x2e1: {  	v3 =	vor.u32 v3, v4  }
0x2e2: {  	v4 =	vperm.xlane v3, v0;
	_ =	sdelay $0x1  }
0x2e3: {  	v3 =	vperm.xlane v3, v2;
	v4 =	vadd.s32 v1, v4;
	_ =	sdelay $0x1  }
0x2e4: {  	v3 =	vadd.s32 v1, v3;
	_ =	sdelay $0x1  }
0x2e5: {  	s20 =	simm.s32 $0xB400  }
0x2e6: {  	[tilespmem:s20], [sflag:$0x2] =	stream.indirect_vreg.gather [hbm4b:s2+s3], $0x80, v4, vm0, $0xb8;
	[tilespmem:$0x18400] =	vst v63  }
0x2e7: {  	s19 =	simm.s32 $0xBC00  }
0x2e8: {  	[tilespmem:s19], [sflag:$0x2] =	stream.indirect_vreg.gather [hbm4b:s2+s3], $0x80, v3, vm0, $0xb8;
	[tilespmem:$0x18400] =	vst v63  }
0x2e9: {  	v3 =	vld [tilespmem:$0x3C0];
	_ =	sdelay $0x4  }
0x2ea: {  	v60 =	vshll.u32 v3, $0x1  }
0x2eb: {  	v3 =	vand.u32 $0x7, v3;
	v4 =	vand.u32 $0xFFFFFFF0, v60  }
0x2ec: {  	v3 =	vor.u32 v3, v4  }
0x2ed: {  	v4 =	vperm.xlane v3, v0;
	_ =	sdelay $0x1  }
0x2ee: {  	v3 =	vperm.xlane v3, v2;
	v4 =	vadd.s32 v1, v4;
	_ =	sdelay $0x1  }
0x2ef: {  	v3 =	vadd.s32 v1, v3;
	_ =	sdelay $0x1  }
0x2f0: {  	s20 =	simm.s32 $0xC400  }
0x2f1: {  	[tilespmem:s20], [sflag:$0x2] =	stream.indirect_vreg.gather [hbm4b:s2+s3], $0x80, v4, vm0, $0xb8;
	[tilespmem:$0x18400] =	vst v63  }
0x2f2: {  	s19 =	simm.s32 $0xCC00  }
0x2f3: {  	[tilespmem:s19], [sflag:$0x2] =	stream.indirect_vreg.gather [hbm4b:s2+s3], $0x80, v3, vm0, $0xb8;
	[tilespmem:$0x18400] =	vst v63  }
0x2f4: {  	v3 =	vld [tilespmem:$0x3D0];
	_ =	sdelay $0x4  }
0x2f5: {  	v61 =	vshll.u32 v3, $0x1  }
0x2f6: {  	v3 =	vand.u32 $0x7, v3;
	v4 =	vand.u32 $0xFFFFFFF0, v61  }
0x2f7: {  	v3 =	vor.u32 v3, v4  }
0x2f8: {  	v4 =	vperm.xlane v3, v0;
	_ =	sdelay $0x1  }
0x2f9: {  	v3 =	vperm.xlane v3, v2;
	v4 =	vadd.s32 v1, v4;
	_ =	sdelay $0x1  }
0x2fa: {  	v3 =	vadd.s32 v1, v3;
	_ =	sdelay $0x1  }
0x2fb: {  	s20 =	simm.s32 $0xD400  }
0x2fc: {  	[tilespmem:s20], [sflag:$0x2] =	stream.indirect_vreg.gather [hbm4b:s2+s3], $0x80, v4, vm0, $0xb8;
	[tilespmem:$0x18400] =	vst v63  }
0x2fd: {  	s19 =	simm.s32 $0xDC00  }
0x2fe: {  	[tilespmem:s19], [sflag:$0x2] =	stream.indirect_vreg.gather [hbm4b:s2+s3], $0x80, v3, vm0, $0xb8;
	[tilespmem:$0x18400] =	vst v63  }
0x2ff: {  	v3 =	vld [tilespmem:$0x3E0];
	_ =	sdelay $0x4  }
0x300: {  	v62 =	vshll.u32 v3, $0x1  }
0x301: {  	v3 =	vand.u32 $0x7, v3;
	v4 =	vand.u32 $0xFFFFFFF0, v62  }
0x302: {  	v3 =	vor.u32 v3, v4  }
0x303: {  	v4 =	vperm.xlane v3, v0;
	_ =	sdelay $0x1  }
0x304: {  	v3 =	vperm.xlane v3, v2;
	v4 =	vadd.s32 v1, v4;
	_ =	sdelay $0x1  }
0x305: {  	v3 =	vadd.s32 v1, v3;
	_ =	sdelay $0x1  }
0x306: {  	s20 =	simm.s32 $0xE400  }
0x307: {  	[tilespmem:s20], [sflag:$0x2] =	stream.indirect_vreg.gather [hbm4b:s2+s3], $0x80, v4, vm0, $0xb8;
	[tilespmem:$0x18400] =	vst v63  }
0x308: {  	s19 =	simm.s32 $0xEC00  }
0x309: {  	[tilespmem:s19], [sflag:$0x2] =	stream.indirect_vreg.gather [hbm4b:s2+s3], $0x80, v3, vm0, $0xb8;
	[tilespmem:$0x18400] =	vst v63  }
0x30a: {  	v3 =	vld [tilespmem:$0x3F0];
	_ =	sdelay $0x4  }
0x30b: {  	v63 =	vshll.u32 v3, $0x1  }
0x30c: {  	v3 =	vand.u32 $0x7, v3;
	v4 =	vand.u32 $0xFFFFFFF0, v63  }
0x30d: {  	v3 =	vor.u32 v3, v4  }
0x30e: {  	v4 =	vperm.xlane v3, v0;
	_ =	sdelay $0x1  }
0x30f: {  	v3 =	vperm.xlane v3, v2;
	v4 =	vadd.s32 v1, v4;
	_ =	sdelay $0x1  }
0x310: {  	v3 =	vadd.s32 v1, v3;
	_ =	sdelay $0x1  }
0x311: {  	s20 =	simm.s32 $0xF400  }
0x312: {  	[tilespmem:s20], [sflag:$0x2] =	stream.indirect_vreg.gather [hbm4b:s2+s3], $0x80, v4, vm0, $0xb8;
	[tilespmem:$0x18400] =	vst v63  }
0x313: {  	s19 =	simm.s32 $0xFC00  }
0x314: {  	[tilespmem:s19], [sflag:$0x2] =	stream.indirect_vreg.gather [hbm4b:s2+s3], $0x80, v3, vm0, $0xb8;
	[tilespmem:$0x18400] =	vst v63  }
0x315: {  	_ =	swait.ge [sflag:s30], $0x8000  }
0x316: {  	[sflag:s30] =	ssyncset.done $0x0  }
0x317: {  	s20 =	rddreg [dreg:$0x11];
	[sflag:s30] =	ssyncadd.s32 $0xFFFF8000  }
0x318: {  	[hbm4b:s20+s3] =	stream.linear.scatter [tilespmem:s6], [sflag:$0x6], $0x8000, $0x38;
	[tilespmem:$0x18400] =	vst v63  }
0x319: {  	_ =	swait.ge [sflag:s13], $0x8000  }
0x31a: {  	[sflag:s13] =	ssyncset.done $0x0  }
0x31b: {  	s1 =	rddreg [dreg:$0x12];
	[sflag:s13] =	ssyncadd.s32 $0xFFFF8000  }
0x31c: {  	[hbm4b:s1+s3] =	stream.linear.scatter [tilespmem:s22], [sflag:$0x4], $0x8000, $0x38;
	[tilespmem:$0x18400] =	vst v63  }
0x31d: {  	_ =	swait.ge [sflag:s15], $0x8000  }
0x31e: {  	[sflag:s15] =	ssyncset.done $0x0  }
0x31f: {  	s20 =	rddreg [dreg:$0x13];
	[sflag:s15] =	ssyncadd.s32 $0xFFFF8000  }
0x320: {  	[hbm4b:s20+s3] =	stream.linear.scatter [tilespmem:s0], [sflag:$0x5], $0x8000, $0x38;
	[tilespmem:$0x18400] =	vst v63  }
0x321: {  	_ =	swait.ge [sflag:s18], $0x8000  }
0x322: {  	[sflag:s18] =	ssyncset.done $0x0  }
0x323: {  	[sflag:s18] =	ssyncadd.s32 $0xFFFF8000  }
0x324: {  	p0 =	sne.s32 s4, $0x1;
	_ =	swait.ge [sflag:s14], $0x8000  }
.Ltmp0:
0x325: {  	[sflag:s14] =	ssyncset.done $0x0;
	(pc) =	sbr.rel @p0 .LBB2_1-.Ltmp0, $4  }
0x326: {  	[sflag:s14] =	ssyncadd.s32 $0xFFFF8000  }
0x327: {  	_ =	swait.ge [sflag:s16], $0x8000  }
0x328: {  	[sflag:s16] =	ssyncset.done $0x0  }
0x329: {  	s4 =	sadd.s32 $0xFFFFFFFF, s4;
	[sflag:s16] =	ssyncadd.s32 $0xFFFF8000  }
0x32a: {  	_ =	sfence.sel $0x180000  }
0x32b: {  	[bflag:$0x0] =	sbarrier.arrive $0xFFFF  }
0x32c: {  	_ =	strace $0x90000047  }
0x32d: {  	s0 =	stileid.u32;
	[bflag:$0x2] =	sbarrier.arrive $0xFFFF  }
0x32e: {  	p0 =	sne.s32 s0, $0x0;
	s0 =	rddreg [dreg:$0x3]  }
0x32f: {  	s0 =	sadd.s32 @!p0 $0x100000, s0  }
0x330: {  	[sflag:s0] =	ssyncadd.tile.s32 @!p0 $0x1;
	_ =	shalt  }
.Lfunc_end2:
_tile_overlayer_lowered:
.L_overlay_start_2:
0x331: {  	(tag) =	ssettag $0x2  }
0x332: {  	s0 =	rddreg [dreg:$0x0];
	s2 =	stileid.u32  }
0x333: {  	s1 =	rddreg [dreg:$0x1];
	p0 =	sne.s32 s2, $0x0  }
0x334: {  	s3 =	rddreg [dreg:$0x2];
	[bflag:$0x3] =	sbarrier.arrive $0xFFFF;
	s2 =	simm.s32 @!p0 $0x1C07  }
0x335: {  	[timem:s3], [sflag:s2] =	dma.local @!p0 [hbm:s0], s1  }
0x336: {  	s0 =	simm.s32 @!p0 $0x7  }
0x337: {  	_ =	swait.ge @!p0 [sflag:s0], s1  }
0x338: {  	s1 =	ssub.s32 @!p0 $0x0, s1;
	[sflag:s0] =	ssyncset.done @!p0 $0x0  }
0x339: {  	[sflag:s0] =	ssyncadd.s32 @!p0 s1  }
0x33a: {  	[bflag:$0x3] =	sbarrier.arrive $0xFFFF  }
0x33b: {  	_ =	shalt  }

</sc_bundles>
